<compile_context>
chip_gen: v7x
topology: tpu7x:2x2x1
jax: 0.10.2.dev20260603
libtpu: 0.0.44.dev20260713+nightly
codegen_flags: <defaults>
</compile_context>

<pallas_src>
import functools

import jax
import jax.numpy as jnp
from jax import lax
from jax.experimental import pallas as pl
from jax.experimental.pallas import tpu as pltpu
from jax.experimental.pallas import tpu_sc as plsc

F32 = jnp.float32
BF16 = jnp.bfloat16

B = 4096
NP = 10
HERO_DIM = 128
SKILL_DIM = 64
PH = 1024
PO = 512
TH = 2048
TO = 1024
MH = 2048

NW = 32
CH = 128
NSPLIT = 1
BP = B // NSPLIT


def _leaky(v):
    return jnp.where(v >= 0, v, 0.01 * v)



NBUF = 4


def _sc_gather(hidx3, sidx3, embed_hero, embed_skill):
    h_chunks = hidx3.shape[1]
    s_chunks = sidx3.shape[1]
    h_per_w = h_chunks * CH
    s_per_w = s_chunks * CH
    mesh = plsc.VectorSubcoreMesh(core_axis_name="c", subcore_axis_name="s")

    @functools.partial(
        pl.kernel,
        out_type=[
            jax.ShapeDtypeStruct((NW, h_per_w, HERO_DIM), BF16),
            jax.ShapeDtypeStruct((NW, s_per_w, SKILL_DIM), BF16),
        ],
        mesh=mesh,
        scratch_types=[
            pltpu.VMEM((h_chunks, CH), jnp.int32),
            pltpu.VMEM((s_chunks, CH), jnp.int32),
            pltpu.VMEM((NBUF, CH, HERO_DIM), BF16),
            pltpu.VMEM((NBUF, CH, SKILL_DIM), BF16),
            pltpu.SemaphoreType.DMA((NBUF,)),
            pltpu.SemaphoreType.DMA((NBUF,)),
            pltpu.SemaphoreType.DMA((NBUF,)),
            pltpu.SemaphoreType.DMA((NBUF,)),
        ],
        compiler_params=pltpu.CompilerParams(use_tc_tiling_on_sc=False),
    )
    def gather_kernel(hidx_hbm, sidx_hbm, hero_hbm, skill_hbm,
                      hero_out, skill_out, hidx_v, sidx_v, hbuf, sbuf,
                      hg_sem, hs_sem, sg_sem, ss_sem):
        wid = lax.axis_index("s") * 2 + lax.axis_index("c")
        pltpu.sync_copy(hidx_hbm.at[wid], hidx_v)
        pltpu.sync_copy(sidx_hbm.at[wid], sidx_v)

        def run_table(n_chunks, table, idx_v, buf, out, g_sem, s_sem):
            def g_desc(j):
                return pltpu.make_async_copy(
                    table.at[idx_v.at[j]], buf.at[j % NBUF], g_sem.at[j % NBUF])

            def s_desc(j):
                off = pl.multiple_of(j * CH, CH)
                return pltpu.make_async_copy(
                    buf.at[j % NBUF], out.at[wid, pl.ds(off, CH)],
                    s_sem.at[j % NBUF])

            for j in range(min(NBUF - 1, n_chunks)):
                g_desc(j).start()

            def body(j, carry):
                @pl.when(j > 0)
                def _():
                    s_desc(j - 1).wait()

                @pl.when(j + NBUF - 1 < n_chunks)
                def _():
                    g_desc(j + NBUF - 1).start()

                g_desc(j).wait()
                s_desc(j).start()
                return carry

            lax.fori_loop(0, n_chunks, body, 0)
            s_desc(n_chunks - 1).wait()

        run_table(h_chunks, hero_hbm, hidx_v, hbuf, hero_out, hg_sem, hs_sem)
        run_table(s_chunks, skill_hbm, sidx_v, sbuf, skill_out, sg_sem, ss_sem)

    return gather_kernel(hidx3, sidx3, embed_hero, embed_skill)



BB = 128
PB = BB * NP
NBLK = BP // BB


def _mlp_body(h_ref, s_ref, wp1a, wp1b, bp1, wp2, bp2, wt1, bt1, wt2, bt2,
              wm1a, wm1b, bm1, wm2, bm2, o_ref):
    hero = h_ref[0]
    skill = s_ref[0]
    a1 = jnp.dot(hero, wp1a[...], preferred_element_type=F32)
    a1 = a1 + jnp.dot(skill, wp1b[...], preferred_element_type=F32)
    p1 = _leaky(a1 + bp1[...]).astype(BF16)
    a2 = jnp.dot(p1, wp2[...], preferred_element_type=F32)
    p = _leaky(a2 + bp2[...]).astype(BF16)
    acc1 = jnp.zeros((BB, TH), F32)
    acc2 = jnp.zeros((BB, TH), F32)
    for i in range(5):
        w = wt1[i * PO:(i + 1) * PO, :]
        pi = p[i * BB:(i + 1) * BB]
        qi = p[(5 + i) * BB:(6 + i) * BB]
        acc1 = acc1 + jnp.dot(pi, w, preferred_element_type=F32)
        acc2 = acc2 + jnp.dot(qi, w, preferred_element_type=F32)
    th1 = _leaky(acc1 + bt1[...]).astype(BF16)
    th2 = _leaky(acc2 + bt1[...]).astype(BF16)
    t1 = _leaky(jnp.dot(th1, wt2[...], preferred_element_type=F32) + bt2[...]).astype(BF16)
    t2 = _leaky(jnp.dot(th2, wt2[...], preferred_element_type=F32) + bt2[...]).astype(BF16)
    mh = _leaky(jnp.dot(t1, wm1a[...], preferred_element_type=F32)
                + jnp.dot(t2, wm1b[...], preferred_element_type=F32)
                + bm1[...]).astype(BF16)
    lg = jnp.dot(mh, wm2[...], preferred_element_type=F32) + bm2[...]
    lg = lg - jnp.max(lg, axis=1, keepdims=True)
    e = jnp.exp(lg)
    o_ref[0] = e / jnp.sum(e, axis=1, keepdims=True)


def _tc_mlp(hero_r, skill_r, wp1a, wp1b, bp1, wp2, bp2, wt1, bt1, wt2, bt2,
            wm1a, wm1b, bm1, wm2, bm2):
    nblk = hero_r.shape[0]

    def full(arr):
        ndim = arr.ndim
        return pl.BlockSpec(arr.shape, lambda i, _n=ndim: (0,) * _n)

    grid_spec = pl.GridSpec(
        grid=(nblk,),
        in_specs=[
            pl.BlockSpec((1, PB, HERO_DIM), lambda i: (i, 0, 0)),
            pl.BlockSpec((1, PB, 4 * SKILL_DIM), lambda i: (i, 0, 0)),
            full(wp1a), full(wp1b), full(bp1), full(wp2), full(bp2),
            full(wt1), full(bt1), full(wt2), full(bt2),
            full(wm1a), full(wm1b), full(bm1), full(wm2), full(bm2),
        ],
        out_specs=pl.BlockSpec((1, BB, 2), lambda i: (i, 0, 0)),
    )
    return pl.pallas_call(
        _mlp_body,
        grid_spec=grid_spec,
        out_shape=jax.ShapeDtypeStruct((nblk, BB, 2), F32),
        compiler_params=pltpu.CompilerParams(
            dimension_semantics=("arbitrary",),
            vmem_limit_bytes=100 * 1024 * 1024,
        ),
    )(hero_r, skill_r, wp1a, wp1b, bp1, wp2, bp2, wt1, bt1, wt2, bt2,
      wm1a, wm1b, bm1, wm2, bm2)



def kernel(x, randomize, embed_hero, embed_skill, W_p1, b_p1, W_p2, b_p2,
           W_t1, b_t1, W_t2, b_t2, W_m1, b_m1, W_m2, b_m2):
    del randomize
    bf = lambda a: a.astype(BF16)
    weights = (
        bf(W_p1[:HERO_DIM]), bf(W_p1[HERO_DIM:]), bf(b_p1.reshape(1, PH)),
        bf(W_p2), bf(b_p2.reshape(1, PO)),
        bf(W_t1), bf(b_t1.reshape(1, TH)),
        bf(W_t2), bf(b_t2.reshape(1, TO)),
        bf(W_m1[:TO]), bf(W_m1[TO:]), bf(b_m1.reshape(1, MH)),
        bf(W_m2), b_m2.reshape(1, 2),
    )
    hero_tab = bf(embed_hero)
    skill_tab = bf(embed_skill)

    gathered = []
    for i in range(NSPLIT):
        xi = x[i * BP:(i + 1) * BP]
        hidx3 = (xi[:, :, 0].reshape(NBLK, BB, NP)
                 .transpose(0, 2, 1).reshape(NW, BP * NP // NW // CH, CH))
        sidx3 = ((xi[:, :, 1:] + 1).reshape(NBLK, BB, NP, 4)
                 .transpose(0, 2, 1, 3).reshape(NW, BP * NP * 4 // NW // CH, CH))
        gathered.append(_sc_gather(hidx3, sidx3, hero_tab, skill_tab))
    outs = [
        _tc_mlp(hero_rows.reshape(NBLK, PB, HERO_DIM),
                skill_rows.reshape(NBLK, PB, 4 * SKILL_DIM),
                *weights)
        for hero_rows, skill_rows in gathered
    ]
    return jnp.concatenate(outs, axis=0).reshape(B, 2)

# --- scband reference (transcript-rebuilt; emitter-appended) ---
"""Pipeline reference for scband-model-mlp-71631464562715 (READ-ONLY COPY).

The authoritative reference and input builder live on the scoring server;
editing this copy changes nothing except your own understanding.
"""

import jax, jax.numpy as jnp
import numpy as np

B = 4096
HERO_DIM = 128
SKILL_DIM = 64
PLAYER_EMBED = HERO_DIM + SKILL_DIM * 4  # 384
PLAYER_HIDDEN = 1024
PLAYER_OUT = 512
TEAM_HIDDEN = 2048
TEAM_OUT = 1024
MATCH_HIDDEN = 2048


def _leaky(v):
    return jax.nn.leaky_relu(v, negative_slope=0.01)


def setup_inputs(seed: int = 0) -> dict:
    key = jax.random.key(seed)
    ks = jax.random.split(key, 20)
    x = jax.random.randint(ks[0], (B, 10, 5), 0, 119, dtype=jnp.int32)
    randomize = False
    s = 0.02
    inp = {
        "x": x,
        "randomize": randomize,
        "embed_hero": jax.random.normal(ks[1], (120, HERO_DIM), dtype=jnp.float32) * s,
        "embed_skill": jax.random.normal(ks[2], (480, SKILL_DIM), dtype=jnp.float32) * s,
        "W_p1": jax.random.normal(ks[3], (PLAYER_EMBED, PLAYER_HIDDEN), dtype=jnp.float32) * s,
        "b_p1": jnp.zeros((PLAYER_HIDDEN,), dtype=jnp.float32),
        "W_p2": jax.random.normal(ks[4], (PLAYER_HIDDEN, PLAYER_OUT), dtype=jnp.float32) * s,
        "b_p2": jnp.zeros((PLAYER_OUT,), dtype=jnp.float32),
        "W_t1": jax.random.normal(ks[5], (PLAYER_OUT * 5, TEAM_HIDDEN), dtype=jnp.float32) * s,
        "b_t1": jnp.zeros((TEAM_HIDDEN,), dtype=jnp.float32),
        "W_t2": jax.random.normal(ks[6], (TEAM_HIDDEN, TEAM_OUT), dtype=jnp.float32) * s,
        "b_t2": jnp.zeros((TEAM_OUT,), dtype=jnp.float32),
        "W_m1": jax.random.normal(ks[7], (TEAM_OUT * 2, MATCH_HIDDEN), dtype=jnp.float32) * s,
        "b_m1": jnp.zeros((MATCH_HIDDEN,), dtype=jnp.float32),
        "W_m2": jax.random.normal(ks[8], (MATCH_HIDDEN, 2), dtype=jnp.float32) * s,
        "b_m2": jnp.zeros((2,), dtype=jnp.float32),
    }
    return inp


def reference(x, randomize, embed_hero, embed_skill, W_p1, b_p1, W_p2, b_p2,
              W_t1, b_t1, W_t2, b_t2, W_m1, b_m1, W_m2, b_m2):
    # embedding lookups (gather)
    h = jnp.take(embed_hero, x[:, :, 0], axis=0)              # [B, 10, 128]
    s_idx = x[:, :, 1:] + 1                                    # [B, 10, 4]
    s = jnp.take(embed_skill, s_idx, axis=0)                   # [B, 10, 4, 64]
    # randomize=False path: no dropout masking, no permutation (eval mode)
    s = s.reshape(s.shape[0], s.shape[1], s.shape[2] * s.shape[3])
    hs = jnp.concatenate([h, s], axis=2)                       # [B, 10, 384]
    # player model (dropout = identity in eval)
    p = _leaky(hs @ W_p1 + b_p1)
    p = _leaky(p @ W_p2 + b_p2)                                # [B, 10, 512]
    t1_in = p[:, 0:5, :].reshape(p.shape[0], 5 * p.shape[2])
    t2_in = p[:, 5:, :].reshape(p.shape[0], 5 * p.shape[2])
    def team(t):
        t = _leaky(t @ W_t1 + b_t1)
        t = _leaky(t @ W_t2 + b_t2)
        return t
    t1 = team(t1_in)
    t2 = team(t2_in)
    m = jnp.concatenate([t1, t2], axis=1)                      # [B, 2048]
    m = _leaky(m @ W_m1 + b_m1)
    logits = m @ W_m2 + b_m2
    return jax.nn.softmax(logits, axis=1)                      # [B, 2]

if __name__ == "__main__":
    import jax
    _d = setup_inputs()
    print(jax.jit(kernel)(*tuple(_d.values())))

</pallas_src>

<mosaic_0001>
#map = affine_map<(d0, d1) -> (0, 0, 0)>
#map1 = affine_map<(d0, d1) -> (0, 0)>
module attributes {stable_mosaic.version = 14 : i64} {
  func.func @gather_kernel(%arg0: i32, %arg1: i32, %arg2: memref<32x10x128xi32, #tpu.memory_space<hbm>>, %arg3: memref<32x40x128xi32, #tpu.memory_space<hbm>>, %arg4: memref<120x128xbf16, #tpu.memory_space<hbm>>, %arg5: memref<480x64xbf16, #tpu.memory_space<hbm>>, %arg6: memref<32x1280x128xbf16, #tpu.memory_space<hbm>>, %arg7: memref<32x5120x64xbf16, #tpu.memory_space<hbm>>, %arg8: memref<10x128xi32, #tpu.memory_space<vmem>>, %arg9: memref<40x128xi32, #tpu.memory_space<vmem>>, %arg10: memref<4x128x128xbf16, #tpu.memory_space<vmem>>, %arg11: memref<4x128x64xbf16, #tpu.memory_space<vmem>>, %arg12: memref<4x!tpu.dma_semaphore, #tpu.memory_space<semaphore_mem>>, %arg13: memref<4x!tpu.dma_semaphore, #tpu.memory_space<semaphore_mem>>, %arg14: memref<4x!tpu.dma_semaphore, #tpu.memory_space<semaphore_mem>>, %arg15: memref<4x!tpu.dma_semaphore, #tpu.memory_space<semaphore_mem>>) attributes {dimension_semantics = [#tpu.dimension_semantics<core_parallel>, #tpu.dimension_semantics<subcore_parallel>], iteration_bounds = array<i64: 2, 16>, scalar_prefetch = 0 : i64, scratch_operands = 8 : i64, tpu.core_type = #tpu.core_type<sc_vector_subcore>, window_params = [{transform_indices = #map}, {transform_indices = #map}, {transform_indices = #map1}, {transform_indices = #map1}, {transform_indices = #map}, {transform_indices = #map}]} {
    %mul3A = arith.constant 2 : i32
    %mul3A_0 = arith.muli %arg1, %mul3A : i32
    %add3A = arith.addi %mul3A_0, %arg0 : i32
    "tpu.region"() ({
      %run_scoped3A = tpu.sem_alloc : memref<!tpu.dma_semaphore, #tpu.memory_space<semaphore_mem>>
      %dma_start3A_139 = arith.constant 0 : i32
      %dma_start3A_140 = arith.constant 0 : i32
      %dma_start3A_141 = tpu.memref_slice %arg2[%add3A, %dma_start3A_139, %dma_start3A_140] : memref<32x10x128xi32, #tpu.memory_space<hbm>> -> memref<1x10x128xi32, #tpu.memory_space<hbm>>
      %dma_start3A_142 = tpu.memref_squeeze %dma_start3A_141 : memref<1x10x128xi32, #tpu.memory_space<hbm>> -> memref<10x128xi32, #tpu.memory_space<hbm>>
      %dma_start3A_143 = arith.constant 0 : i32
      %dma_start3A_144 = arith.constant 0 : i32
      %dma_start3A_145 = tpu.memref_slice %arg2[%add3A, %dma_start3A_143, %dma_start3A_144] : memref<32x10x128xi32, #tpu.memory_space<hbm>> -> memref<1x10x128xi32, #tpu.memory_space<hbm>>
      %dma_start3A_146 = tpu.memref_squeeze %dma_start3A_145 : memref<1x10x128xi32, #tpu.memory_space<hbm>> -> memref<10x128xi32, #tpu.memory_space<hbm>>
      tpu.enqueue_dma source(%dma_start3A_146 : memref<10x128xi32, #tpu.memory_space<hbm>>) target(%arg8 : memref<10x128xi32, #tpu.memory_space<vmem>>) target_semaphore(%run_scoped3A : memref<!tpu.dma_semaphore, #tpu.memory_space<semaphore_mem>>)
      %dma_wait3A_147 = arith.constant 0 : i32
      %dma_wait3A_148 = arith.constant 0 : i32
      %dma_wait3A_149 = tpu.memref_slice %arg2[%add3A, %dma_wait3A_147, %dma_wait3A_148] : memref<32x10x128xi32, #tpu.memory_space<hbm>> -> memref<1x10x128xi32, #tpu.memory_space<hbm>>
      %dma_wait3A_150 = tpu.memref_squeeze %dma_wait3A_149 : memref<1x10x128xi32, #tpu.memory_space<hbm>> -> memref<10x128xi32, #tpu.memory_space<hbm>>
      %dma_wait3A_151 = arith.constant 0 : i32
      %dma_wait3A_152 = arith.constant 0 : i32
      %dma_wait3A_153 = tpu.memref_slice %arg2[%add3A, %dma_wait3A_151, %dma_wait3A_152] : memref<32x10x128xi32, #tpu.memory_space<hbm>> -> memref<1x10x128xi32, #tpu.memory_space<hbm>>
      %dma_wait3A_154 = tpu.memref_squeeze %dma_wait3A_153 : memref<1x10x128xi32, #tpu.memory_space<hbm>> -> memref<10x128xi32, #tpu.memory_space<hbm>>
      tpu.wait_dma2 semaphore(%run_scoped3A : memref<!tpu.dma_semaphore, #tpu.memory_space<semaphore_mem>>) src(%dma_wait3A_154 : memref<10x128xi32, #tpu.memory_space<hbm>>) dst(%arg8 : memref<10x128xi32, #tpu.memory_space<vmem>>)
      tpu.yield
    }) : () -> ()
    "tpu.region"() ({
      %run_scoped3A = tpu.sem_alloc : memref<!tpu.dma_semaphore, #tpu.memory_space<semaphore_mem>>
      %dma_start3A_139 = arith.constant 0 : i32
      %dma_start3A_140 = arith.constant 0 : i32
      %dma_start3A_141 = tpu.memref_slice %arg3[%add3A, %dma_start3A_139, %dma_start3A_140] : memref<32x40x128xi32, #tpu.memory_space<hbm>> -> memref<1x40x128xi32, #tpu.memory_space<hbm>>
      %dma_start3A_142 = tpu.memref_squeeze %dma_start3A_141 : memref<1x40x128xi32, #tpu.memory_space<hbm>> -> memref<40x128xi32, #tpu.memory_space<hbm>>
      %dma_start3A_143 = arith.constant 0 : i32
      %dma_start3A_144 = arith.constant 0 : i32
      %dma_start3A_145 = tpu.memref_slice %arg3[%add3A, %dma_start3A_143, %dma_start3A_144] : memref<32x40x128xi32, #tpu.memory_space<hbm>> -> memref<1x40x128xi32, #tpu.memory_space<hbm>>
      %dma_start3A_146 = tpu.memref_squeeze %dma_start3A_145 : memref<1x40x128xi32, #tpu.memory_space<hbm>> -> memref<40x128xi32, #tpu.memory_space<hbm>>
      tpu.enqueue_dma source(%dma_start3A_146 : memref<40x128xi32, #tpu.memory_space<hbm>>) target(%arg9 : memref<40x128xi32, #tpu.memory_space<vmem>>) target_semaphore(%run_scoped3A : memref<!tpu.dma_semaphore, #tpu.memory_space<semaphore_mem>>)
      %dma_wait3A_147 = arith.constant 0 : i32
      %dma_wait3A_148 = arith.constant 0 : i32
      %dma_wait3A_149 = tpu.memref_slice %arg3[%add3A, %dma_wait3A_147, %dma_wait3A_148] : memref<32x40x128xi32, #tpu.memory_space<hbm>> -> memref<1x40x128xi32, #tpu.memory_space<hbm>>
      %dma_wait3A_150 = tpu.memref_squeeze %dma_wait3A_149 : memref<1x40x128xi32, #tpu.memory_space<hbm>> -> memref<40x128xi32, #tpu.memory_space<hbm>>
      %dma_wait3A_151 = arith.constant 0 : i32
      %dma_wait3A_152 = arith.constant 0 : i32
      %dma_wait3A_153 = tpu.memref_slice %arg3[%add3A, %dma_wait3A_151, %dma_wait3A_152] : memref<32x40x128xi32, #tpu.memory_space<hbm>> -> memref<1x40x128xi32, #tpu.memory_space<hbm>>
      %dma_wait3A_154 = tpu.memref_squeeze %dma_wait3A_153 : memref<1x40x128xi32, #tpu.memory_space<hbm>> -> memref<40x128xi32, #tpu.memory_space<hbm>>
      tpu.wait_dma2 semaphore(%run_scoped3A : memref<!tpu.dma_semaphore, #tpu.memory_space<semaphore_mem>>) src(%dma_wait3A_154 : memref<40x128xi32, #tpu.memory_space<hbm>>) dst(%arg9 : memref<40x128xi32, #tpu.memory_space<vmem>>)
      tpu.yield
    }) : () -> ()
    %dma_start3A = arith.constant 0 : i32
    %dma_start3A_1 = arith.constant 0 : i32
    %dma_start3A_2 = arith.constant 0 : i32
    %dma_start3A_3 = arith.constant 0 : i32
    %dma_start3A_4 = arith.constant 0 : i32
    %dma_start3A_5 = tpu.memref_slice %arg10[%dma_start3A_1, %dma_start3A_3, %dma_start3A_4] : memref<4x128x128xbf16, #tpu.memory_space<vmem>> -> memref<1x128x128xbf16, #tpu.memory_space<vmem>>
    %dma_start3A_6 = tpu.memref_squeeze %dma_start3A_5 : memref<1x128x128xbf16, #tpu.memory_space<vmem>> -> memref<128x128xbf16, #tpu.memory_space<vmem>>
    %dma_start3A_7 = arith.constant 0 : i32
    %dma_start3A_8 = tpu.memref_slice %arg8[%dma_start3A, %dma_start3A_7] : memref<10x128xi32, #tpu.memory_space<vmem>> -> memref<1x128xi32, #tpu.memory_space<vmem>>
    %dma_start3A_9 = tpu.memref_squeeze %dma_start3A_8 : memref<1x128xi32, #tpu.memory_space<vmem>> -> memref<128xi32, #tpu.memory_space<vmem>>
    %dma_start3A_10 = arith.constant 0 : i32
    %dma_start3A_11 = arith.constant 0 : i32
    %dma_start3A_12 = tpu.memref_slice %arg4[%dma_start3A_10, %dma_start3A_11] : memref<120x128xbf16, #tpu.memory_space<hbm>> -> memref<120x128xbf16, #tpu.memory_space<hbm>>
    %dma_start3A_13 = tpu.memref_slice %arg12[%dma_start3A_2] : memref<4x!tpu.dma_semaphore, #tpu.memory_space<semaphore_mem>> -> memref<1x!tpu.dma_semaphore, #tpu.memory_space<semaphore_mem>>
    %dma_start3A_14 = tpu.memref_squeeze %dma_start3A_13 : memref<1x!tpu.dma_semaphore, #tpu.memory_space<semaphore_mem>> -> memref<!tpu.dma_semaphore, #tpu.memory_space<semaphore_mem>>
    tpu.enqueue_indirect_dma source(%dma_start3A_12 : memref<120x128xbf16, #tpu.memory_space<hbm>>) target(%dma_start3A_6 : memref<128x128xbf16, #tpu.memory_space<vmem>>) offsets(%dma_start3A_9 : memref<128xi32, #tpu.memory_space<vmem>>) semaphore(%dma_start3A_14 : memref<!tpu.dma_semaphore, #tpu.memory_space<semaphore_mem>>)
    %dma_start3A_15 = arith.constant 1 : i32
    %dma_start3A_16 = arith.constant 1 : i32
    %dma_start3A_17 = arith.constant 1 : i32
    %dma_start3A_18 = arith.constant 0 : i32
    %dma_start3A_19 = arith.constant 0 : i32
    %dma_start3A_20 = tpu.memref_slice %arg10[%dma_start3A_16, %dma_start3A_18, %dma_start3A_19] : memref<4x128x128xbf16, #tpu.memory_space<vmem>> -> memref<1x128x128xbf16, #tpu.memory_space<vmem>>
    %dma_start3A_21 = tpu.memref_squeeze %dma_start3A_20 : memref<1x128x128xbf16, #tpu.memory_space<vmem>> -> memref<128x128xbf16, #tpu.memory_space<vmem>>
    %dma_start3A_22 = arith.constant 0 : i32
    %dma_start3A_23 = tpu.memref_slice %arg8[%dma_start3A_15, %dma_start3A_22] : memref<10x128xi32, #tpu.memory_space<vmem>> -> memref<1x128xi32, #tpu.memory_space<vmem>>
    %dma_start3A_24 = tpu.memref_squeeze %dma_start3A_23 : memref<1x128xi32, #tpu.memory_space<vmem>> -> memref<128xi32, #tpu.memory_space<vmem>>
    %dma_start3A_25 = arith.constant 0 : i32
    %dma_start3A_26 = arith.constant 0 : i32
    %dma_start3A_27 = tpu.memref_slice %arg4[%dma_start3A_25, %dma_start3A_26] : memref<120x128xbf16, #tpu.memory_space<hbm>> -> memref<120x128xbf16, #tpu.memory_space<hbm>>
    %dma_start3A_28 = tpu.memref_slice %arg12[%dma_start3A_17] : memref<4x!tpu.dma_semaphore, #tpu.memory_space<semaphore_mem>> -> memref<1x!tpu.dma_semaphore, #tpu.memory_space<semaphore_mem>>
    %dma_start3A_29 = tpu.memref_squeeze %dma_start3A_28 : memref<1x!tpu.dma_semaphore, #tpu.memory_space<semaphore_mem>> -> memref<!tpu.dma_semaphore, #tpu.memory_space<semaphore_mem>>
    tpu.enqueue_indirect_dma source(%dma_start3A_27 : memref<120x128xbf16, #tpu.memory_space<hbm>>) target(%dma_start3A_21 : memref<128x128xbf16, #tpu.memory_space<vmem>>) offsets(%dma_start3A_24 : memref<128xi32, #tpu.memory_space<vmem>>) semaphore(%dma_start3A_29 : memref<!tpu.dma_semaphore, #tpu.memory_space<semaphore_mem>>)
    %dma_start3A_30 = arith.constant 2 : i32
    %dma_start3A_31 = arith.constant 2 : i32
    %dma_start3A_32 = arith.constant 2 : i32
    %dma_start3A_33 = arith.constant 0 : i32
    %dma_start3A_34 = arith.constant 0 : i32
    %dma_start3A_35 = tpu.memref_slice %arg10[%dma_start3A_31, %dma_start3A_33, %dma_start3A_34] : memref<4x128x128xbf16, #tpu.memory_space<vmem>> -> memref<1x128x128xbf16, #tpu.memory_space<vmem>>
    %dma_start3A_36 = tpu.memref_squeeze %dma_start3A_35 : memref<1x128x128xbf16, #tpu.memory_space<vmem>> -> memref<128x128xbf16, #tpu.memory_space<vmem>>
    %dma_start3A_37 = arith.constant 0 : i32
    %dma_start3A_38 = tpu.memref_slice %arg8[%dma_start3A_30, %dma_start3A_37] : memref<10x128xi32, #tpu.memory_space<vmem>> -> memref<1x128xi32, #tpu.memory_space<vmem>>
    %dma_start3A_39 = tpu.memref_squeeze %dma_start3A_38 : memref<1x128xi32, #tpu.memory_space<vmem>> -> memref<128xi32, #tpu.memory_space<vmem>>
    %dma_start3A_40 = arith.constant 0 : i32
    %dma_start3A_41 = arith.constant 0 : i32
    %dma_start3A_42 = tpu.memref_slice %arg4[%dma_start3A_40, %dma_start3A_41] : memref<120x128xbf16, #tpu.memory_space<hbm>> -> memref<120x128xbf16, #tpu.memory_space<hbm>>
    %dma_start3A_43 = tpu.memref_slice %arg12[%dma_start3A_32] : memref<4x!tpu.dma_semaphore, #tpu.memory_space<semaphore_mem>> -> memref<1x!tpu.dma_semaphore, #tpu.memory_space<semaphore_mem>>
    %dma_start3A_44 = tpu.memref_squeeze %dma_start3A_43 : memref<1x!tpu.dma_semaphore, #tpu.memory_space<semaphore_mem>> -> memref<!tpu.dma_semaphore, #tpu.memory_space<semaphore_mem>>
    tpu.enqueue_indirect_dma source(%dma_start3A_42 : memref<120x128xbf16, #tpu.memory_space<hbm>>) target(%dma_start3A_36 : memref<128x128xbf16, #tpu.memory_space<vmem>>) offsets(%dma_start3A_39 : memref<128xi32, #tpu.memory_space<vmem>>) semaphore(%dma_start3A_44 : memref<!tpu.dma_semaphore, #tpu.memory_space<semaphore_mem>>)
    %scan3A = arith.constant 0 : i32
    %scan3A_45 = arith.constant 0 : i32
    %scan3A_46 = arith.constant 10 : i32
    %scan3A_47 = arith.addi %scan3A_45, %scan3A_46 : i32
    %scan3A_48 = arith.constant 1 : i32
    scf.for %scan3A_139 = %scan3A_45 to %scan3A_47 step %scan3A_48  : i32 {
      %gt3A = arith.constant 0 : i32
      %gt3A_140 = arith.cmpi sgt, %scan3A_139, %gt3A : i32
      %convert_element_type3A = arith.extui %gt3A_140 : i1 to i32
      %cond3A = arith.constant 0 : i32
      %cond3A_141 = arith.cmpi ne, %convert_element_type3A, %cond3A : i32
      scf.if %cond3A_141 {
        %sub3A_238 = arith.constant 1 : i32
        %sub3A_239 = arith.subi %scan3A_139, %sub3A_238 : i32
        %mul3A_240 = arith.constant 128 : i32
        %mul3A_241 = arith.muli %sub3A_239, %mul3A_240 : i32
        %multiple_of3A_242 = tpu.assume_multiple %mul3A_241, 128 : i32
        %jit3A_243 = arith.constant 4 : i32
        %eq3A_244 = arith.constant 0 : i32
        %eq3A_245 = arith.cmpi eq, %jit3A_243, %eq3A_244 : i32
        %jit3A_246 = arith.constant 1 : i32
        %select_n3A_247 = arith.select %eq3A_245, %jit3A_246, %jit3A_243 : i32
        %rem3A_248 = arith.remsi %sub3A_239, %select_n3A_247 : i32
        %ne3A_249 = arith.constant 0 : i32
        %ne3A_250 = arith.cmpi ne, %rem3A_248, %ne3A_249 : i32
        %lt3A_251 = arith.constant 0 : i32
        %lt3A_252 = arith.cmpi slt, %rem3A_248, %lt3A_251 : i32
        %lt3A_253 = arith.constant 0 : i32
        %lt3A_254 = arith.cmpi slt, %select_n3A_247, %lt3A_253 : i32
        %ne3A_255 = arith.xori %lt3A_252, %lt3A_254 : i1
        %and3A_256 = arith.andi %ne3A_255, %ne3A_250 : i1
        %add3A_257 = arith.addi %rem3A_248, %select_n3A_247 : i32
        %select_n3A_258 = arith.select %and3A_256, %add3A_257, %rem3A_248 : i32
        %jit3A_259 = arith.constant 4 : i32
        %eq3A_260 = arith.constant 0 : i32
        %eq3A_261 = arith.cmpi eq, %jit3A_259, %eq3A_260 : i32
        %jit3A_262 = arith.constant 1 : i32
        %select_n3A_263 = arith.select %eq3A_261, %jit3A_262, %jit3A_259 : i32
        %rem3A_264 = arith.remsi %sub3A_239, %select_n3A_263 : i32
        %ne3A_265 = arith.constant 0 : i32
        %ne3A_266 = arith.cmpi ne, %rem3A_264, %ne3A_265 : i32
        %lt3A_267 = arith.constant 0 : i32
        %lt3A_268 = arith.cmpi slt, %rem3A_264, %lt3A_267 : i32
        %lt3A_269 = arith.constant 0 : i32
        %lt3A_270 = arith.cmpi slt, %select_n3A_263, %lt3A_269 : i32
        %ne3A_271 = arith.xori %lt3A_268, %lt3A_270 : i1
        %and3A_272 = arith.andi %ne3A_271, %ne3A_266 : i1
        %add3A_273 = arith.addi %rem3A_264, %select_n3A_263 : i32
        %select_n3A_274 = arith.select %and3A_272, %add3A_273, %rem3A_264 : i32
        %dma_wait3A_275 = arith.constant 0 : i32
        %dma_wait3A_276 = arith.constant 0 : i32
        %dma_wait3A_277 = tpu.memref_slice %arg10[%select_n3A_258, %dma_wait3A_275, %dma_wait3A_276] : memref<4x128x128xbf16, #tpu.memory_space<vmem>> -> memref<1x128x128xbf16, #tpu.memory_space<vmem>>
        %dma_wait3A_278 = tpu.memref_squeeze %dma_wait3A_277 : memref<1x128x128xbf16, #tpu.memory_space<vmem>> -> memref<128x128xbf16, #tpu.memory_space<vmem>>
        %dma_wait3A_279 = arith.constant 0 : i32
        %dma_wait3A_280 = tpu.memref_slice %arg6[%add3A, %multiple_of3A_242, %dma_wait3A_279] : memref<32x1280x128xbf16, #tpu.memory_space<hbm>> -> memref<1x128x128xbf16, #tpu.memory_space<hbm>>
        %dma_wait3A_281 = tpu.memref_squeeze %dma_wait3A_280 : memref<1x128x128xbf16, #tpu.memory_space<hbm>> -> memref<128x128xbf16, #tpu.memory_space<hbm>>
        %dma_wait3A_282 = tpu.memref_slice %arg13[%select_n3A_274] : memref<4x!tpu.dma_semaphore, #tpu.memory_space<semaphore_mem>> -> memref<1x!tpu.dma_semaphore, #tpu.memory_space<semaphore_mem>>
        %dma_wait3A_283 = tpu.memref_squeeze %dma_wait3A_282 : memref<1x!tpu.dma_semaphore, #tpu.memory_space<semaphore_mem>> -> memref<!tpu.dma_semaphore, #tpu.memory_space<semaphore_mem>>
        %dma_wait3A_284 = arith.constant 0 : i32
        %dma_wait3A_285 = tpu.memref_slice %arg6[%add3A, %multiple_of3A_242, %dma_wait3A_284] : memref<32x1280x128xbf16, #tpu.memory_space<hbm>> -> memref<1x128x128xbf16, #tpu.memory_space<hbm>>
        %dma_wait3A_286 = tpu.memref_squeeze %dma_wait3A_285 : memref<1x128x128xbf16, #tpu.memory_space<hbm>> -> memref<128x128xbf16, #tpu.memory_space<hbm>>
        %dma_wait3A_287 = arith.constant 0 : i32
        %dma_wait3A_288 = arith.constant 0 : i32
        %dma_wait3A_289 = tpu.memref_slice %arg10[%select_n3A_258, %dma_wait3A_287, %dma_wait3A_288] : memref<4x128x128xbf16, #tpu.memory_space<vmem>> -> memref<1x128x128xbf16, #tpu.memory_space<vmem>>
        %dma_wait3A_290 = tpu.memref_squeeze %dma_wait3A_289 : memref<1x128x128xbf16, #tpu.memory_space<vmem>> -> memref<128x128xbf16, #tpu.memory_space<vmem>>
        tpu.wait_dma2 semaphore(%dma_wait3A_283 : memref<!tpu.dma_semaphore, #tpu.memory_space<semaphore_mem>>) src(%dma_wait3A_290 : memref<128x128xbf16, #tpu.memory_space<vmem>>) dst(%dma_wait3A_286 : memref<128x128xbf16, #tpu.memory_space<hbm>>)
      } else {
      }
      %add3A_142 = arith.constant 4 : i32
      %add3A_143 = arith.addi %scan3A_139, %add3A_142 : i32
      %sub3A = arith.constant 1 : i32
      %sub3A_144 = arith.subi %add3A_143, %sub3A : i32
      %lt3A = arith.constant 10 : i32
      %lt3A_145 = arith.cmpi slt, %sub3A_144, %lt3A : i32
      %convert_element_type3A_146 = arith.extui %lt3A_145 : i1 to i32
      %cond3A_147 = arith.constant 0 : i32
      %cond3A_148 = arith.cmpi ne, %convert_element_type3A_146, %cond3A_147 : i32
      scf.if %cond3A_148 {
        %add3A_238 = arith.constant 4 : i32
        %add3A_239 = arith.addi %scan3A_139, %add3A_238 : i32
        %sub3A_240 = arith.constant 1 : i32
        %sub3A_241 = arith.subi %add3A_239, %sub3A_240 : i32
        %jit3A_242 = arith.constant 4 : i32
        %eq3A_243 = arith.constant 0 : i32
        %eq3A_244 = arith.cmpi eq, %jit3A_242, %eq3A_243 : i32
        %jit3A_245 = arith.constant 1 : i32
        %select_n3A_246 = arith.select %eq3A_244, %jit3A_245, %jit3A_242 : i32
        %rem3A_247 = arith.remsi %sub3A_241, %select_n3A_246 : i32
        %ne3A_248 = arith.constant 0 : i32
        %ne3A_249 = arith.cmpi ne, %rem3A_247, %ne3A_248 : i32
        %lt3A_250 = arith.constant 0 : i32
        %lt3A_251 = arith.cmpi slt, %rem3A_247, %lt3A_250 : i32
        %lt3A_252 = arith.constant 0 : i32
        %lt3A_253 = arith.cmpi slt, %select_n3A_246, %lt3A_252 : i32
        %ne3A_254 = arith.xori %lt3A_251, %lt3A_253 : i1
        %and3A_255 = arith.andi %ne3A_254, %ne3A_249 : i1
        %add3A_256 = arith.addi %rem3A_247, %select_n3A_246 : i32
        %select_n3A_257 = arith.select %and3A_255, %add3A_256, %rem3A_247 : i32
        %jit3A_258 = arith.constant 4 : i32
        %eq3A_259 = arith.constant 0 : i32
        %eq3A_260 = arith.cmpi eq, %jit3A_258, %eq3A_259 : i32
        %jit3A_261 = arith.constant 1 : i32
        %select_n3A_262 = arith.select %eq3A_260, %jit3A_261, %jit3A_258 : i32
        %rem3A_263 = arith.remsi %sub3A_241, %select_n3A_262 : i32
        %ne3A_264 = arith.constant 0 : i32
        %ne3A_265 = arith.cmpi ne, %rem3A_263, %ne3A_264 : i32
        %lt3A_266 = arith.constant 0 : i32
        %lt3A_267 = arith.cmpi slt, %rem3A_263, %lt3A_266 : i32
        %lt3A_268 = arith.constant 0 : i32
        %lt3A_269 = arith.cmpi slt, %select_n3A_262, %lt3A_268 : i32
        %ne3A_270 = arith.xori %lt3A_267, %lt3A_269 : i1
        %and3A_271 = arith.andi %ne3A_270, %ne3A_265 : i1
        %add3A_272 = arith.addi %rem3A_263, %select_n3A_262 : i32
        %select_n3A_273 = arith.select %and3A_271, %add3A_272, %rem3A_263 : i32
        %dma_start3A_274 = arith.constant 0 : i32
        %dma_start3A_275 = arith.constant 0 : i32
        %dma_start3A_276 = tpu.memref_slice %arg10[%select_n3A_257, %dma_start3A_274, %dma_start3A_275] : memref<4x128x128xbf16, #tpu.memory_space<vmem>> -> memref<1x128x128xbf16, #tpu.memory_space<vmem>>
        %dma_start3A_277 = tpu.memref_squeeze %dma_start3A_276 : memref<1x128x128xbf16, #tpu.memory_space<vmem>> -> memref<128x128xbf16, #tpu.memory_space<vmem>>
        %dma_start3A_278 = arith.constant 0 : i32
        %dma_start3A_279 = tpu.memref_slice %arg8[%sub3A_241, %dma_start3A_278] : memref<10x128xi32, #tpu.memory_space<vmem>> -> memref<1x128xi32, #tpu.memory_space<vmem>>
        %dma_start3A_280 = tpu.memref_squeeze %dma_start3A_279 : memref<1x128xi32, #tpu.memory_space<vmem>> -> memref<128xi32, #tpu.memory_space<vmem>>
        %dma_start3A_281 = arith.constant 0 : i32
        %dma_start3A_282 = arith.constant 0 : i32
        %dma_start3A_283 = tpu.memref_slice %arg4[%dma_start3A_281, %dma_start3A_282] : memref<120x128xbf16, #tpu.memory_space<hbm>> -> memref<120x128xbf16, #tpu.memory_space<hbm>>
        %dma_start3A_284 = tpu.memref_slice %arg12[%select_n3A_273] : memref<4x!tpu.dma_semaphore, #tpu.memory_space<semaphore_mem>> -> memref<1x!tpu.dma_semaphore, #tpu.memory_space<semaphore_mem>>
        %dma_start3A_285 = tpu.memref_squeeze %dma_start3A_284 : memref<1x!tpu.dma_semaphore, #tpu.memory_space<semaphore_mem>> -> memref<!tpu.dma_semaphore, #tpu.memory_space<semaphore_mem>>
        tpu.enqueue_indirect_dma source(%dma_start3A_283 : memref<120x128xbf16, #tpu.memory_space<hbm>>) target(%dma_start3A_277 : memref<128x128xbf16, #tpu.memory_space<vmem>>) offsets(%dma_start3A_280 : memref<128xi32, #tpu.memory_space<vmem>>) semaphore(%dma_start3A_285 : memref<!tpu.dma_semaphore, #tpu.memory_space<semaphore_mem>>)
      } else {
      }
      %jit3A = arith.constant 4 : i32
      %eq3A = arith.constant 0 : i32
      %eq3A_149 = arith.cmpi eq, %jit3A, %eq3A : i32
      %jit3A_150 = arith.constant 1 : i32
      %select_n3A = arith.select %eq3A_149, %jit3A_150, %jit3A : i32
      %rem3A = arith.remsi %scan3A_139, %select_n3A : i32
      %ne3A = arith.constant 0 : i32
      %ne3A_151 = arith.cmpi ne, %rem3A, %ne3A : i32
      %lt3A_152 = arith.constant 0 : i32
      %lt3A_153 = arith.cmpi slt, %rem3A, %lt3A_152 : i32
      %lt3A_154 = arith.constant 0 : i32
      %lt3A_155 = arith.cmpi slt, %select_n3A, %lt3A_154 : i32
      %ne3A_156 = arith.xori %lt3A_153, %lt3A_155 : i1
      %and3A = arith.andi %ne3A_156, %ne3A_151 : i1
      %add3A_157 = arith.addi %rem3A, %select_n3A : i32
      %select_n3A_158 = arith.select %and3A, %add3A_157, %rem3A : i32
      %jit3A_159 = arith.constant 4 : i32
      %eq3A_160 = arith.constant 0 : i32
      %eq3A_161 = arith.cmpi eq, %jit3A_159, %eq3A_160 : i32
      %jit3A_162 = arith.constant 1 : i32
      %select_n3A_163 = arith.select %eq3A_161, %jit3A_162, %jit3A_159 : i32
      %rem3A_164 = arith.remsi %scan3A_139, %select_n3A_163 : i32
      %ne3A_165 = arith.constant 0 : i32
      %ne3A_166 = arith.cmpi ne, %rem3A_164, %ne3A_165 : i32
      %lt3A_167 = arith.constant 0 : i32
      %lt3A_168 = arith.cmpi slt, %rem3A_164, %lt3A_167 : i32
      %lt3A_169 = arith.constant 0 : i32
      %lt3A_170 = arith.cmpi slt, %select_n3A_163, %lt3A_169 : i32
      %ne3A_171 = arith.xori %lt3A_168, %lt3A_170 : i1
      %and3A_172 = arith.andi %ne3A_171, %ne3A_166 : i1
      %add3A_173 = arith.addi %rem3A_164, %select_n3A_163 : i32
      %select_n3A_174 = arith.select %and3A_172, %add3A_173, %rem3A_164 : i32
      %dma_wait3A_175 = arith.constant 0 : i32
      %dma_wait3A_176 = arith.constant 0 : i32
      %dma_wait3A_177 = tpu.memref_slice %arg10[%select_n3A_158, %dma_wait3A_175, %dma_wait3A_176] : memref<4x128x128xbf16, #tpu.memory_space<vmem>> -> memref<1x128x128xbf16, #tpu.memory_space<vmem>>
      %dma_wait3A_178 = tpu.memref_squeeze %dma_wait3A_177 : memref<1x128x128xbf16, #tpu.memory_space<vmem>> -> memref<128x128xbf16, #tpu.memory_space<vmem>>
      %dma_wait3A_179 = arith.constant 0 : i32
      %dma_wait3A_180 = tpu.memref_slice %arg8[%scan3A_139, %dma_wait3A_179] : memref<10x128xi32, #tpu.memory_space<vmem>> -> memref<1x128xi32, #tpu.memory_space<vmem>>
      %dma_wait3A_181 = tpu.memref_squeeze %dma_wait3A_180 : memref<1x128xi32, #tpu.memory_space<vmem>> -> memref<128xi32, #tpu.memory_space<vmem>>
      %dma_wait3A_182 = arith.constant 0 : i32
      %dma_wait3A_183 = arith.constant 0 : i32
      %dma_wait3A_184 = tpu.memref_slice %arg4[%dma_wait3A_182, %dma_wait3A_183] : memref<120x128xbf16, #tpu.memory_space<hbm>> -> memref<120x128xbf16, #tpu.memory_space<hbm>>
      %dma_wait3A_185 = tpu.memref_slice %arg12[%select_n3A_174] : memref<4x!tpu.dma_semaphore, #tpu.memory_space<semaphore_mem>> -> memref<1x!tpu.dma_semaphore, #tpu.memory_space<semaphore_mem>>
      %dma_wait3A_186 = tpu.memref_squeeze %dma_wait3A_185 : memref<1x!tpu.dma_semaphore, #tpu.memory_space<semaphore_mem>> -> memref<!tpu.dma_semaphore, #tpu.memory_space<semaphore_mem>>
      tpu.wait_indirect_dma semaphore(%dma_wait3A_186 : memref<!tpu.dma_semaphore, #tpu.memory_space<semaphore_mem>>) src(%dma_wait3A_184 : memref<120x128xbf16, #tpu.memory_space<hbm>>) dst(%dma_wait3A_178 : memref<128x128xbf16, #tpu.memory_space<vmem>>)
      %mul3A_187 = arith.constant 128 : i32
      %mul3A_188 = arith.muli %scan3A_139, %mul3A_187 : i32
      %multiple_of3A_189 = tpu.assume_multiple %mul3A_188, 128 : i32
      %jit3A_190 = arith.constant 4 : i32
      %eq3A_191 = arith.constant 0 : i32
      %eq3A_192 = arith.cmpi eq, %jit3A_190, %eq3A_191 : i32
      %jit3A_193 = arith.constant 1 : i32
      %select_n3A_194 = arith.select %eq3A_192, %jit3A_193, %jit3A_190 : i32
      %rem3A_195 = arith.remsi %scan3A_139, %select_n3A_194 : i32
      %ne3A_196 = arith.constant 0 : i32
      %ne3A_197 = arith.cmpi ne, %rem3A_195, %ne3A_196 : i32
      %lt3A_198 = arith.constant 0 : i32
      %lt3A_199 = arith.cmpi slt, %rem3A_195, %lt3A_198 : i32
      %lt3A_200 = arith.constant 0 : i32
      %lt3A_201 = arith.cmpi slt, %select_n3A_194, %lt3A_200 : i32
      %ne3A_202 = arith.xori %lt3A_199, %lt3A_201 : i1
      %and3A_203 = arith.andi %ne3A_202, %ne3A_197 : i1
      %add3A_204 = arith.addi %rem3A_195, %select_n3A_194 : i32
      %select_n3A_205 = arith.select %and3A_203, %add3A_204, %rem3A_195 : i32
      %jit3A_206 = arith.constant 4 : i32
      %eq3A_207 = arith.constant 0 : i32
      %eq3A_208 = arith.cmpi eq, %jit3A_206, %eq3A_207 : i32
      %jit3A_209 = arith.constant 1 : i32
      %select_n3A_210 = arith.select %eq3A_208, %jit3A_209, %jit3A_206 : i32
      %rem3A_211 = arith.remsi %scan3A_139, %select_n3A_210 : i32
      %ne3A_212 = arith.constant 0 : i32
      %ne3A_213 = arith.cmpi ne, %rem3A_211, %ne3A_212 : i32
      %lt3A_214 = arith.constant 0 : i32
      %lt3A_215 = arith.cmpi slt, %rem3A_211, %lt3A_214 : i32
      %lt3A_216 = arith.constant 0 : i32
      %lt3A_217 = arith.cmpi slt, %select_n3A_210, %lt3A_216 : i32
      %ne3A_218 = arith.xori %lt3A_215, %lt3A_217 : i1
      %and3A_219 = arith.andi %ne3A_218, %ne3A_213 : i1
      %add3A_220 = arith.addi %rem3A_211, %select_n3A_210 : i32
      %select_n3A_221 = arith.select %and3A_219, %add3A_220, %rem3A_211 : i32
      %dma_start3A_222 = arith.constant 0 : i32
      %dma_start3A_223 = arith.constant 0 : i32
      %dma_start3A_224 = tpu.memref_slice %arg10[%select_n3A_205, %dma_start3A_222, %dma_start3A_223] : memref<4x128x128xbf16, #tpu.memory_space<vmem>> -> memref<1x128x128xbf16, #tpu.memory_space<vmem>>
      %dma_start3A_225 = tpu.memref_squeeze %dma_start3A_224 : memref<1x128x128xbf16, #tpu.memory_space<vmem>> -> memref<128x128xbf16, #tpu.memory_space<vmem>>
      %dma_start3A_226 = arith.constant 0 : i32
      %dma_start3A_227 = tpu.memref_slice %arg6[%add3A, %multiple_of3A_189, %dma_start3A_226] : memref<32x1280x128xbf16, #tpu.memory_space<hbm>> -> memref<1x128x128xbf16, #tpu.memory_space<hbm>>
      %dma_start3A_228 = tpu.memref_squeeze %dma_start3A_227 : memref<1x128x128xbf16, #tpu.memory_space<hbm>> -> memref<128x128xbf16, #tpu.memory_space<hbm>>
      %dma_start3A_229 = tpu.memref_slice %arg13[%select_n3A_221] : memref<4x!tpu.dma_semaphore, #tpu.memory_space<semaphore_mem>> -> memref<1x!tpu.dma_semaphore, #tpu.memory_space<semaphore_mem>>
      %dma_start3A_230 = tpu.memref_squeeze %dma_start3A_229 : memref<1x!tpu.dma_semaphore, #tpu.memory_space<semaphore_mem>> -> memref<!tpu.dma_semaphore, #tpu.memory_space<semaphore_mem>>
      %dma_start3A_231 = arith.constant 0 : i32
      %dma_start3A_232 = tpu.memref_slice %arg6[%add3A, %multiple_of3A_189, %dma_start3A_231] : memref<32x1280x128xbf16, #tpu.memory_space<hbm>> -> memref<1x128x128xbf16, #tpu.memory_space<hbm>>
      %dma_start3A_233 = tpu.memref_squeeze %dma_start3A_232 : memref<1x128x128xbf16, #tpu.memory_space<hbm>> -> memref<128x128xbf16, #tpu.memory_space<hbm>>
      %dma_start3A_234 = arith.constant 0 : i32
      %dma_start3A_235 = arith.constant 0 : i32
      %dma_start3A_236 = tpu.memref_slice %arg10[%select_n3A_205, %dma_start3A_234, %dma_start3A_235] : memref<4x128x128xbf16, #tpu.memory_space<vmem>> -> memref<1x128x128xbf16, #tpu.memory_space<vmem>>
      %dma_start3A_237 = tpu.memref_squeeze %dma_start3A_236 : memref<1x128x128xbf16, #tpu.memory_space<vmem>> -> memref<128x128xbf16, #tpu.memory_space<vmem>>
      tpu.enqueue_dma source(%dma_start3A_237 : memref<128x128xbf16, #tpu.memory_space<vmem>>) target(%dma_start3A_233 : memref<128x128xbf16, #tpu.memory_space<hbm>>) target_semaphore(%dma_start3A_230 : memref<!tpu.dma_semaphore, #tpu.memory_space<semaphore_mem>>)
    }
    %scan3A_49 = arith.constant 10 : i32
    %multiple_of3A = arith.constant 1152 : i32
    %multiple_of3A_50 = tpu.assume_multiple %multiple_of3A, 128 : i32
    %dma_wait3A = arith.constant 1 : i32
    %dma_wait3A_51 = arith.constant 1 : i32
    %dma_wait3A_52 = arith.constant 0 : i32
    %dma_wait3A_53 = arith.constant 0 : i32
    %dma_wait3A_54 = tpu.memref_slice %arg10[%dma_wait3A, %dma_wait3A_52, %dma_wait3A_53] : memref<4x128x128xbf16, #tpu.memory_space<vmem>> -> memref<1x128x128xbf16, #tpu.memory_space<vmem>>
    %dma_wait3A_55 = tpu.memref_squeeze %dma_wait3A_54 : memref<1x128x128xbf16, #tpu.memory_space<vmem>> -> memref<128x128xbf16, #tpu.memory_space<vmem>>
    %dma_wait3A_56 = arith.constant 0 : i32
    %dma_wait3A_57 = tpu.memref_slice %arg6[%add3A, %multiple_of3A_50, %dma_wait3A_56] : memref<32x1280x128xbf16, #tpu.memory_space<hbm>> -> memref<1x128x128xbf16, #tpu.memory_space<hbm>>
    %dma_wait3A_58 = tpu.memref_squeeze %dma_wait3A_57 : memref<1x128x128xbf16, #tpu.memory_space<hbm>> -> memref<128x128xbf16, #tpu.memory_space<hbm>>
    %dma_wait3A_59 = tpu.memref_slice %arg13[%dma_wait3A_51] : memref<4x!tpu.dma_semaphore, #tpu.memory_space<semaphore_mem>> -> memref<1x!tpu.dma_semaphore, #tpu.memory_space<semaphore_mem>>
    %dma_wait3A_60 = tpu.memref_squeeze %dma_wait3A_59 : memref<1x!tpu.dma_semaphore, #tpu.memory_space<semaphore_mem>> -> memref<!tpu.dma_semaphore, #tpu.memory_space<semaphore_mem>>
    %dma_wait3A_61 = arith.constant 0 : i32
    %dma_wait3A_62 = tpu.memref_slice %arg6[%add3A, %multiple_of3A_50, %dma_wait3A_61] : memref<32x1280x128xbf16, #tpu.memory_space<hbm>> -> memref<1x128x128xbf16, #tpu.memory_space<hbm>>
    %dma_wait3A_63 = tpu.memref_squeeze %dma_wait3A_62 : memref<1x128x128xbf16, #tpu.memory_space<hbm>> -> memref<128x128xbf16, #tpu.memory_space<hbm>>
    %dma_wait3A_64 = arith.constant 0 : i32
    %dma_wait3A_65 = arith.constant 0 : i32
    %dma_wait3A_66 = tpu.memref_slice %arg10[%dma_wait3A, %dma_wait3A_64, %dma_wait3A_65] : memref<4x128x128xbf16, #tpu.memory_space<vmem>> -> memref<1x128x128xbf16, #tpu.memory_space<vmem>>
    %dma_wait3A_67 = tpu.memref_squeeze %dma_wait3A_66 : memref<1x128x128xbf16, #tpu.memory_space<vmem>> -> memref<128x128xbf16, #tpu.memory_space<vmem>>
    tpu.wait_dma2 semaphore(%dma_wait3A_60 : memref<!tpu.dma_semaphore, #tpu.memory_space<semaphore_mem>>) src(%dma_wait3A_67 : memref<128x128xbf16, #tpu.memory_space<vmem>>) dst(%dma_wait3A_63 : memref<128x128xbf16, #tpu.memory_space<hbm>>)
    %dma_start3A_68 = arith.constant 0 : i32
    %dma_start3A_69 = arith.constant 0 : i32
    %dma_start3A_70 = arith.constant 0 : i32
    %dma_start3A_71 = arith.constant 0 : i32
    %dma_start3A_72 = arith.constant 0 : i32
    %dma_start3A_73 = tpu.memref_slice %arg11[%dma_start3A_69, %dma_start3A_71, %dma_start3A_72] : memref<4x128x64xbf16, #tpu.memory_space<vmem>> -> memref<1x128x64xbf16, #tpu.memory_space<vmem>>
    %dma_start3A_74 = tpu.memref_squeeze %dma_start3A_73 : memref<1x128x64xbf16, #tpu.memory_space<vmem>> -> memref<128x64xbf16, #tpu.memory_space<vmem>>
    %dma_start3A_75 = arith.constant 0 : i32
    %dma_start3A_76 = tpu.memref_slice %arg9[%dma_start3A_68, %dma_start3A_75] : memref<40x128xi32, #tpu.memory_space<vmem>> -> memref<1x128xi32, #tpu.memory_space<vmem>>
    %dma_start3A_77 = tpu.memref_squeeze %dma_start3A_76 : memref<1x128xi32, #tpu.memory_space<vmem>> -> memref<128xi32, #tpu.memory_space<vmem>>
    %dma_start3A_78 = arith.constant 0 : i32
    %dma_start3A_79 = arith.constant 0 : i32
    %dma_start3A_80 = tpu.memref_slice %arg5[%dma_start3A_78, %dma_start3A_79] : memref<480x64xbf16, #tpu.memory_space<hbm>> -> memref<480x64xbf16, #tpu.memory_space<hbm>>
    %dma_start3A_81 = tpu.memref_slice %arg14[%dma_start3A_70] : memref<4x!tpu.dma_semaphore, #tpu.memory_space<semaphore_mem>> -> memref<1x!tpu.dma_semaphore, #tpu.memory_space<semaphore_mem>>
    %dma_start3A_82 = tpu.memref_squeeze %dma_start3A_81 : memref<1x!tpu.dma_semaphore, #tpu.memory_space<semaphore_mem>> -> memref<!tpu.dma_semaphore, #tpu.memory_space<semaphore_mem>>
    tpu.enqueue_indirect_dma source(%dma_start3A_80 : memref<480x64xbf16, #tpu.memory_space<hbm>>) target(%dma_start3A_74 : memref<128x64xbf16, #tpu.memory_space<vmem>>) offsets(%dma_start3A_77 : memref<128xi32, #tpu.memory_space<vmem>>) semaphore(%dma_start3A_82 : memref<!tpu.dma_semaphore, #tpu.memory_space<semaphore_mem>>)
    %dma_start3A_83 = arith.constant 1 : i32
    %dma_start3A_84 = arith.constant 1 : i32
    %dma_start3A_85 = arith.constant 1 : i32
    %dma_start3A_86 = arith.constant 0 : i32
    %dma_start3A_87 = arith.constant 0 : i32
    %dma_start3A_88 = tpu.memref_slice %arg11[%dma_start3A_84, %dma_start3A_86, %dma_start3A_87] : memref<4x128x64xbf16, #tpu.memory_space<vmem>> -> memref<1x128x64xbf16, #tpu.memory_space<vmem>>
    %dma_start3A_89 = tpu.memref_squeeze %dma_start3A_88 : memref<1x128x64xbf16, #tpu.memory_space<vmem>> -> memref<128x64xbf16, #tpu.memory_space<vmem>>
    %dma_start3A_90 = arith.constant 0 : i32
    %dma_start3A_91 = tpu.memref_slice %arg9[%dma_start3A_83, %dma_start3A_90] : memref<40x128xi32, #tpu.memory_space<vmem>> -> memref<1x128xi32, #tpu.memory_space<vmem>>
    %dma_start3A_92 = tpu.memref_squeeze %dma_start3A_91 : memref<1x128xi32, #tpu.memory_space<vmem>> -> memref<128xi32, #tpu.memory_space<vmem>>
    %dma_start3A_93 = arith.constant 0 : i32
    %dma_start3A_94 = arith.constant 0 : i32
    %dma_start3A_95 = tpu.memref_slice %arg5[%dma_start3A_93, %dma_start3A_94] : memref<480x64xbf16, #tpu.memory_space<hbm>> -> memref<480x64xbf16, #tpu.memory_space<hbm>>
    %dma_start3A_96 = tpu.memref_slice %arg14[%dma_start3A_85] : memref<4x!tpu.dma_semaphore, #tpu.memory_space<semaphore_mem>> -> memref<1x!tpu.dma_semaphore, #tpu.memory_space<semaphore_mem>>
    %dma_start3A_97 = tpu.memref_squeeze %dma_start3A_96 : memref<1x!tpu.dma_semaphore, #tpu.memory_space<semaphore_mem>> -> memref<!tpu.dma_semaphore, #tpu.memory_space<semaphore_mem>>
    tpu.enqueue_indirect_dma source(%dma_start3A_95 : memref<480x64xbf16, #tpu.memory_space<hbm>>) target(%dma_start3A_89 : memref<128x64xbf16, #tpu.memory_space<vmem>>) offsets(%dma_start3A_92 : memref<128xi32, #tpu.memory_space<vmem>>) semaphore(%dma_start3A_97 : memref<!tpu.dma_semaphore, #tpu.memory_space<semaphore_mem>>)
    %dma_start3A_98 = arith.constant 2 : i32
    %dma_start3A_99 = arith.constant 2 : i32
    %dma_start3A_100 = arith.constant 2 : i32
    %dma_start3A_101 = arith.constant 0 : i32
    %dma_start3A_102 = arith.constant 0 : i32
    %dma_start3A_103 = tpu.memref_slice %arg11[%dma_start3A_99, %dma_start3A_101, %dma_start3A_102] : memref<4x128x64xbf16, #tpu.memory_space<vmem>> -> memref<1x128x64xbf16, #tpu.memory_space<vmem>>
    %dma_start3A_104 = tpu.memref_squeeze %dma_start3A_103 : memref<1x128x64xbf16, #tpu.memory_space<vmem>> -> memref<128x64xbf16, #tpu.memory_space<vmem>>
    %dma_start3A_105 = arith.constant 0 : i32
    %dma_start3A_106 = tpu.memref_slice %arg9[%dma_start3A_98, %dma_start3A_105] : memref<40x128xi32, #tpu.memory_space<vmem>> -> memref<1x128xi32, #tpu.memory_space<vmem>>
    %dma_start3A_107 = tpu.memref_squeeze %dma_start3A_106 : memref<1x128xi32, #tpu.memory_space<vmem>> -> memref<128xi32, #tpu.memory_space<vmem>>
    %dma_start3A_108 = arith.constant 0 : i32
    %dma_start3A_109 = arith.constant 0 : i32
    %dma_start3A_110 = tpu.memref_slice %arg5[%dma_start3A_108, %dma_start3A_109] : memref<480x64xbf16, #tpu.memory_space<hbm>> -> memref<480x64xbf16, #tpu.memory_space<hbm>>
    %dma_start3A_111 = tpu.memref_slice %arg14[%dma_start3A_100] : memref<4x!tpu.dma_semaphore, #tpu.memory_space<semaphore_mem>> -> memref<1x!tpu.dma_semaphore, #tpu.memory_space<semaphore_mem>>
    %dma_start3A_112 = tpu.memref_squeeze %dma_start3A_111 : memref<1x!tpu.dma_semaphore, #tpu.memory_space<semaphore_mem>> -> memref<!tpu.dma_semaphore, #tpu.memory_space<semaphore_mem>>
    tpu.enqueue_indirect_dma source(%dma_start3A_110 : memref<480x64xbf16, #tpu.memory_space<hbm>>) target(%dma_start3A_104 : memref<128x64xbf16, #tpu.memory_space<vmem>>) offsets(%dma_start3A_107 : memref<128xi32, #tpu.memory_space<vmem>>) semaphore(%dma_start3A_112 : memref<!tpu.dma_semaphore, #tpu.memory_space<semaphore_mem>>)
    %scan3A_113 = arith.constant 0 : i32
    %scan3A_114 = arith.constant 0 : i32
    %scan3A_115 = arith.constant 40 : i32
    %scan3A_116 = arith.addi %scan3A_114, %scan3A_115 : i32
    %scan3A_117 = arith.constant 1 : i32
    scf.for %scan3A_139 = %scan3A_114 to %scan3A_116 step %scan3A_117  : i32 {
      %gt3A = arith.constant 0 : i32
      %gt3A_140 = arith.cmpi sgt, %scan3A_139, %gt3A : i32
      %convert_element_type3A = arith.extui %gt3A_140 : i1 to i32
      %cond3A = arith.constant 0 : i32
      %cond3A_141 = arith.cmpi ne, %convert_element_type3A, %cond3A : i32
      scf.if %cond3A_141 {
        %sub3A_238 = arith.constant 1 : i32
        %sub3A_239 = arith.subi %scan3A_139, %sub3A_238 : i32
        %mul3A_240 = arith.constant 128 : i32
        %mul3A_241 = arith.muli %sub3A_239, %mul3A_240 : i32
        %multiple_of3A_242 = tpu.assume_multiple %mul3A_241, 128 : i32
        %jit3A_243 = arith.constant 4 : i32
        %eq3A_244 = arith.constant 0 : i32
        %eq3A_245 = arith.cmpi eq, %jit3A_243, %eq3A_244 : i32
        %jit3A_246 = arith.constant 1 : i32
        %select_n3A_247 = arith.select %eq3A_245, %jit3A_246, %jit3A_243 : i32
        %rem3A_248 = arith.remsi %sub3A_239, %select_n3A_247 : i32
        %ne3A_249 = arith.constant 0 : i32
        %ne3A_250 = arith.cmpi ne, %rem3A_248, %ne3A_249 : i32
        %lt3A_251 = arith.constant 0 : i32
        %lt3A_252 = arith.cmpi slt, %rem3A_248, %lt3A_251 : i32
        %lt3A_253 = arith.constant 0 : i32
        %lt3A_254 = arith.cmpi slt, %select_n3A_247, %lt3A_253 : i32
        %ne3A_255 = arith.xori %lt3A_252, %lt3A_254 : i1
        %and3A_256 = arith.andi %ne3A_255, %ne3A_250 : i1
        %add3A_257 = arith.addi %rem3A_248, %select_n3A_247 : i32
        %select_n3A_258 = arith.select %and3A_256, %add3A_257, %rem3A_248 : i32
        %jit3A_259 = arith.constant 4 : i32
        %eq3A_260 = arith.constant 0 : i32
        %eq3A_261 = arith.cmpi eq, %jit3A_259, %eq3A_260 : i32
        %jit3A_262 = arith.constant 1 : i32
        %select_n3A_263 = arith.select %eq3A_261, %jit3A_262, %jit3A_259 : i32
        %rem3A_264 = arith.remsi %sub3A_239, %select_n3A_263 : i32
        %ne3A_265 = arith.constant 0 : i32
        %ne3A_266 = arith.cmpi ne, %rem3A_264, %ne3A_265 : i32
        %lt3A_267 = arith.constant 0 : i32
        %lt3A_268 = arith.cmpi slt, %rem3A_264, %lt3A_267 : i32
        %lt3A_269 = arith.constant 0 : i32
        %lt3A_270 = arith.cmpi slt, %select_n3A_263, %lt3A_269 : i32
        %ne3A_271 = arith.xori %lt3A_268, %lt3A_270 : i1
        %and3A_272 = arith.andi %ne3A_271, %ne3A_266 : i1
        %add3A_273 = arith.addi %rem3A_264, %select_n3A_263 : i32
        %select_n3A_274 = arith.select %and3A_272, %add3A_273, %rem3A_264 : i32
        %dma_wait3A_275 = arith.constant 0 : i32
        %dma_wait3A_276 = arith.constant 0 : i32
        %dma_wait3A_277 = tpu.memref_slice %arg11[%select_n3A_258, %dma_wait3A_275, %dma_wait3A_276] : memref<4x128x64xbf16, #tpu.memory_space<vmem>> -> memref<1x128x64xbf16, #tpu.memory_space<vmem>>
        %dma_wait3A_278 = tpu.memref_squeeze %dma_wait3A_277 : memref<1x128x64xbf16, #tpu.memory_space<vmem>> -> memref<128x64xbf16, #tpu.memory_space<vmem>>
        %dma_wait3A_279 = arith.constant 0 : i32
        %dma_wait3A_280 = tpu.memref_slice %arg7[%add3A, %multiple_of3A_242, %dma_wait3A_279] : memref<32x5120x64xbf16, #tpu.memory_space<hbm>> -> memref<1x128x64xbf16, #tpu.memory_space<hbm>>
        %dma_wait3A_281 = tpu.memref_squeeze %dma_wait3A_280 : memref<1x128x64xbf16, #tpu.memory_space<hbm>> -> memref<128x64xbf16, #tpu.memory_space<hbm>>
        %dma_wait3A_282 = tpu.memref_slice %arg15[%select_n3A_274] : memref<4x!tpu.dma_semaphore, #tpu.memory_space<semaphore_mem>> -> memref<1x!tpu.dma_semaphore, #tpu.memory_space<semaphore_mem>>
        %dma_wait3A_283 = tpu.memref_squeeze %dma_wait3A_282 : memref<1x!tpu.dma_semaphore, #tpu.memory_space<semaphore_mem>> -> memref<!tpu.dma_semaphore, #tpu.memory_space<semaphore_mem>>
        %dma_wait3A_284 = arith.constant 0 : i32
        %dma_wait3A_285 = tpu.memref_slice %arg7[%add3A, %multiple_of3A_242, %dma_wait3A_284] : memref<32x5120x64xbf16, #tpu.memory_space<hbm>> -> memref<1x128x64xbf16, #tpu.memory_space<hbm>>
        %dma_wait3A_286 = tpu.memref_squeeze %dma_wait3A_285 : memref<1x128x64xbf16, #tpu.memory_space<hbm>> -> memref<128x64xbf16, #tpu.memory_space<hbm>>
        %dma_wait3A_287 = arith.constant 0 : i32
        %dma_wait3A_288 = arith.constant 0 : i32
        %dma_wait3A_289 = tpu.memref_slice %arg11[%select_n3A_258, %dma_wait3A_287, %dma_wait3A_288] : memref<4x128x64xbf16, #tpu.memory_space<vmem>> -> memref<1x128x64xbf16, #tpu.memory_space<vmem>>
        %dma_wait3A_290 = tpu.memref_squeeze %dma_wait3A_289 : memref<1x128x64xbf16, #tpu.memory_space<vmem>> -> memref<128x64xbf16, #tpu.memory_space<vmem>>
        tpu.wait_dma2 semaphore(%dma_wait3A_283 : memref<!tpu.dma_semaphore, #tpu.memory_space<semaphore_mem>>) src(%dma_wait3A_290 : memref<128x64xbf16, #tpu.memory_space<vmem>>) dst(%dma_wait3A_286 : memref<128x64xbf16, #tpu.memory_space<hbm>>)
      } else {
      }
      %add3A_142 = arith.constant 4 : i32
      %add3A_143 = arith.addi %scan3A_139, %add3A_142 : i32
      %sub3A = arith.constant 1 : i32
      %sub3A_144 = arith.subi %add3A_143, %sub3A : i32
      %lt3A = arith.constant 40 : i32
      %lt3A_145 = arith.cmpi slt, %sub3A_144, %lt3A : i32
      %convert_element_type3A_146 = arith.extui %lt3A_145 : i1 to i32
      %cond3A_147 = arith.constant 0 : i32
      %cond3A_148 = arith.cmpi ne, %convert_element_type3A_146, %cond3A_147 : i32
      scf.if %cond3A_148 {
        %add3A_238 = arith.constant 4 : i32
        %add3A_239 = arith.addi %scan3A_139, %add3A_238 : i32
        %sub3A_240 = arith.constant 1 : i32
        %sub3A_241 = arith.subi %add3A_239, %sub3A_240 : i32
        %jit3A_242 = arith.constant 4 : i32
        %eq3A_243 = arith.constant 0 : i32
        %eq3A_244 = arith.cmpi eq, %jit3A_242, %eq3A_243 : i32
        %jit3A_245 = arith.constant 1 : i32
        %select_n3A_246 = arith.select %eq3A_244, %jit3A_245, %jit3A_242 : i32
        %rem3A_247 = arith.remsi %sub3A_241, %select_n3A_246 : i32
        %ne3A_248 = arith.constant 0 : i32
        %ne3A_249 = arith.cmpi ne, %rem3A_247, %ne3A_248 : i32
        %lt3A_250 = arith.constant 0 : i32
        %lt3A_251 = arith.cmpi slt, %rem3A_247, %lt3A_250 : i32
        %lt3A_252 = arith.constant 0 : i32
        %lt3A_253 = arith.cmpi slt, %select_n3A_246, %lt3A_252 : i32
        %ne3A_254 = arith.xori %lt3A_251, %lt3A_253 : i1
        %and3A_255 = arith.andi %ne3A_254, %ne3A_249 : i1
        %add3A_256 = arith.addi %rem3A_247, %select_n3A_246 : i32
        %select_n3A_257 = arith.select %and3A_255, %add3A_256, %rem3A_247 : i32
        %jit3A_258 = arith.constant 4 : i32
        %eq3A_259 = arith.constant 0 : i32
        %eq3A_260 = arith.cmpi eq, %jit3A_258, %eq3A_259 : i32
        %jit3A_261 = arith.constant 1 : i32
        %select_n3A_262 = arith.select %eq3A_260, %jit3A_261, %jit3A_258 : i32
        %rem3A_263 = arith.remsi %sub3A_241, %select_n3A_262 : i32
        %ne3A_264 = arith.constant 0 : i32
        %ne3A_265 = arith.cmpi ne, %rem3A_263, %ne3A_264 : i32
        %lt3A_266 = arith.constant 0 : i32
        %lt3A_267 = arith.cmpi slt, %rem3A_263, %lt3A_266 : i32
        %lt3A_268 = arith.constant 0 : i32
        %lt3A_269 = arith.cmpi slt, %select_n3A_262, %lt3A_268 : i32
        %ne3A_270 = arith.xori %lt3A_267, %lt3A_269 : i1
        %and3A_271 = arith.andi %ne3A_270, %ne3A_265 : i1
        %add3A_272 = arith.addi %rem3A_263, %select_n3A_262 : i32
        %select_n3A_273 = arith.select %and3A_271, %add3A_272, %rem3A_263 : i32
        %dma_start3A_274 = arith.constant 0 : i32
        %dma_start3A_275 = arith.constant 0 : i32
        %dma_start3A_276 = tpu.memref_slice %arg11[%select_n3A_257, %dma_start3A_274, %dma_start3A_275] : memref<4x128x64xbf16, #tpu.memory_space<vmem>> -> memref<1x128x64xbf16, #tpu.memory_space<vmem>>
        %dma_start3A_277 = tpu.memref_squeeze %dma_start3A_276 : memref<1x128x64xbf16, #tpu.memory_space<vmem>> -> memref<128x64xbf16, #tpu.memory_space<vmem>>
        %dma_start3A_278 = arith.constant 0 : i32
        %dma_start3A_279 = tpu.memref_slice %arg9[%sub3A_241, %dma_start3A_278] : memref<40x128xi32, #tpu.memory_space<vmem>> -> memref<1x128xi32, #tpu.memory_space<vmem>>
        %dma_start3A_280 = tpu.memref_squeeze %dma_start3A_279 : memref<1x128xi32, #tpu.memory_space<vmem>> -> memref<128xi32, #tpu.memory_space<vmem>>
        %dma_start3A_281 = arith.constant 0 : i32
        %dma_start3A_282 = arith.constant 0 : i32
        %dma_start3A_283 = tpu.memref_slice %arg5[%dma_start3A_281, %dma_start3A_282] : memref<480x64xbf16, #tpu.memory_space<hbm>> -> memref<480x64xbf16, #tpu.memory_space<hbm>>
        %dma_start3A_284 = tpu.memref_slice %arg14[%select_n3A_273] : memref<4x!tpu.dma_semaphore, #tpu.memory_space<semaphore_mem>> -> memref<1x!tpu.dma_semaphore, #tpu.memory_space<semaphore_mem>>
        %dma_start3A_285 = tpu.memref_squeeze %dma_start3A_284 : memref<1x!tpu.dma_semaphore, #tpu.memory_space<semaphore_mem>> -> memref<!tpu.dma_semaphore, #tpu.memory_space<semaphore_mem>>
        tpu.enqueue_indirect_dma source(%dma_start3A_283 : memref<480x64xbf16, #tpu.memory_space<hbm>>) target(%dma_start3A_277 : memref<128x64xbf16, #tpu.memory_space<vmem>>) offsets(%dma_start3A_280 : memref<128xi32, #tpu.memory_space<vmem>>) semaphore(%dma_start3A_285 : memref<!tpu.dma_semaphore, #tpu.memory_space<semaphore_mem>>)
      } else {
      }
      %jit3A = arith.constant 4 : i32
      %eq3A = arith.constant 0 : i32
      %eq3A_149 = arith.cmpi eq, %jit3A, %eq3A : i32
      %jit3A_150 = arith.constant 1 : i32
      %select_n3A = arith.select %eq3A_149, %jit3A_150, %jit3A : i32
      %rem3A = arith.remsi %scan3A_139, %select_n3A : i32
      %ne3A = arith.constant 0 : i32
      %ne3A_151 = arith.cmpi ne, %rem3A, %ne3A : i32
      %lt3A_152 = arith.constant 0 : i32
      %lt3A_153 = arith.cmpi slt, %rem3A, %lt3A_152 : i32
      %lt3A_154 = arith.constant 0 : i32
      %lt3A_155 = arith.cmpi slt, %select_n3A, %lt3A_154 : i32
      %ne3A_156 = arith.xori %lt3A_153, %lt3A_155 : i1
      %and3A = arith.andi %ne3A_156, %ne3A_151 : i1
      %add3A_157 = arith.addi %rem3A, %select_n3A : i32
      %select_n3A_158 = arith.select %and3A, %add3A_157, %rem3A : i32
      %jit3A_159 = arith.constant 4 : i32
      %eq3A_160 = arith.constant 0 : i32
      %eq3A_161 = arith.cmpi eq, %jit3A_159, %eq3A_160 : i32
      %jit3A_162 = arith.constant 1 : i32
      %select_n3A_163 = arith.select %eq3A_161, %jit3A_162, %jit3A_159 : i32
      %rem3A_164 = arith.remsi %scan3A_139, %select_n3A_163 : i32
      %ne3A_165 = arith.constant 0 : i32
      %ne3A_166 = arith.cmpi ne, %rem3A_164, %ne3A_165 : i32
      %lt3A_167 = arith.constant 0 : i32
      %lt3A_168 = arith.cmpi slt, %rem3A_164, %lt3A_167 : i32
      %lt3A_169 = arith.constant 0 : i32
      %lt3A_170 = arith.cmpi slt, %select_n3A_163, %lt3A_169 : i32
      %ne3A_171 = arith.xori %lt3A_168, %lt3A_170 : i1
      %and3A_172 = arith.andi %ne3A_171, %ne3A_166 : i1
      %add3A_173 = arith.addi %rem3A_164, %select_n3A_163 : i32
      %select_n3A_174 = arith.select %and3A_172, %add3A_173, %rem3A_164 : i32
      %dma_wait3A_175 = arith.constant 0 : i32
      %dma_wait3A_176 = arith.constant 0 : i32
      %dma_wait3A_177 = tpu.memref_slice %arg11[%select_n3A_158, %dma_wait3A_175, %dma_wait3A_176] : memref<4x128x64xbf16, #tpu.memory_space<vmem>> -> memref<1x128x64xbf16, #tpu.memory_space<vmem>>
      %dma_wait3A_178 = tpu.memref_squeeze %dma_wait3A_177 : memref<1x128x64xbf16, #tpu.memory_space<vmem>> -> memref<128x64xbf16, #tpu.memory_space<vmem>>
      %dma_wait3A_179 = arith.constant 0 : i32
      %dma_wait3A_180 = tpu.memref_slice %arg9[%scan3A_139, %dma_wait3A_179] : memref<40x128xi32, #tpu.memory_space<vmem>> -> memref<1x128xi32, #tpu.memory_space<vmem>>
      %dma_wait3A_181 = tpu.memref_squeeze %dma_wait3A_180 : memref<1x128xi32, #tpu.memory_space<vmem>> -> memref<128xi32, #tpu.memory_space<vmem>>
      %dma_wait3A_182 = arith.constant 0 : i32
      %dma_wait3A_183 = arith.constant 0 : i32
      %dma_wait3A_184 = tpu.memref_slice %arg5[%dma_wait3A_182, %dma_wait3A_183] : memref<480x64xbf16, #tpu.memory_space<hbm>> -> memref<480x64xbf16, #tpu.memory_space<hbm>>
      %dma_wait3A_185 = tpu.memref_slice %arg14[%select_n3A_174] : memref<4x!tpu.dma_semaphore, #tpu.memory_space<semaphore_mem>> -> memref<1x!tpu.dma_semaphore, #tpu.memory_space<semaphore_mem>>
      %dma_wait3A_186 = tpu.memref_squeeze %dma_wait3A_185 : memref<1x!tpu.dma_semaphore, #tpu.memory_space<semaphore_mem>> -> memref<!tpu.dma_semaphore, #tpu.memory_space<semaphore_mem>>
      tpu.wait_indirect_dma semaphore(%dma_wait3A_186 : memref<!tpu.dma_semaphore, #tpu.memory_space<semaphore_mem>>) src(%dma_wait3A_184 : memref<480x64xbf16, #tpu.memory_space<hbm>>) dst(%dma_wait3A_178 : memref<128x64xbf16, #tpu.memory_space<vmem>>)
      %mul3A_187 = arith.constant 128 : i32
      %mul3A_188 = arith.muli %scan3A_139, %mul3A_187 : i32
      %multiple_of3A_189 = tpu.assume_multiple %mul3A_188, 128 : i32
      %jit3A_190 = arith.constant 4 : i32
      %eq3A_191 = arith.constant 0 : i32
      %eq3A_192 = arith.cmpi eq, %jit3A_190, %eq3A_191 : i32
      %jit3A_193 = arith.constant 1 : i32
      %select_n3A_194 = arith.select %eq3A_192, %jit3A_193, %jit3A_190 : i32
      %rem3A_195 = arith.remsi %scan3A_139, %select_n3A_194 : i32
      %ne3A_196 = arith.constant 0 : i32
      %ne3A_197 = arith.cmpi ne, %rem3A_195, %ne3A_196 : i32
      %lt3A_198 = arith.constant 0 : i32
      %lt3A_199 = arith.cmpi slt, %rem3A_195, %lt3A_198 : i32
      %lt3A_200 = arith.constant 0 : i32
      %lt3A_201 = arith.cmpi slt, %select_n3A_194, %lt3A_200 : i32
      %ne3A_202 = arith.xori %lt3A_199, %lt3A_201 : i1
      %and3A_203 = arith.andi %ne3A_202, %ne3A_197 : i1
      %add3A_204 = arith.addi %rem3A_195, %select_n3A_194 : i32
      %select_n3A_205 = arith.select %and3A_203, %add3A_204, %rem3A_195 : i32
      %jit3A_206 = arith.constant 4 : i32
      %eq3A_207 = arith.constant 0 : i32
      %eq3A_208 = arith.cmpi eq, %jit3A_206, %eq3A_207 : i32
      %jit3A_209 = arith.constant 1 : i32
      %select_n3A_210 = arith.select %eq3A_208, %jit3A_209, %jit3A_206 : i32
      %rem3A_211 = arith.remsi %scan3A_139, %select_n3A_210 : i32
      %ne3A_212 = arith.constant 0 : i32
      %ne3A_213 = arith.cmpi ne, %rem3A_211, %ne3A_212 : i32
      %lt3A_214 = arith.constant 0 : i32
      %lt3A_215 = arith.cmpi slt, %rem3A_211, %lt3A_214 : i32
      %lt3A_216 = arith.constant 0 : i32
      %lt3A_217 = arith.cmpi slt, %select_n3A_210, %lt3A_216 : i32
      %ne3A_218 = arith.xori %lt3A_215, %lt3A_217 : i1
      %and3A_219 = arith.andi %ne3A_218, %ne3A_213 : i1
      %add3A_220 = arith.addi %rem3A_211, %select_n3A_210 : i32
      %select_n3A_221 = arith.select %and3A_219, %add3A_220, %rem3A_211 : i32
      %dma_start3A_222 = arith.constant 0 : i32
      %dma_start3A_223 = arith.constant 0 : i32
      %dma_start3A_224 = tpu.memref_slice %arg11[%select_n3A_205, %dma_start3A_222, %dma_start3A_223] : memref<4x128x64xbf16, #tpu.memory_space<vmem>> -> memref<1x128x64xbf16, #tpu.memory_space<vmem>>
      %dma_start3A_225 = tpu.memref_squeeze %dma_start3A_224 : memref<1x128x64xbf16, #tpu.memory_space<vmem>> -> memref<128x64xbf16, #tpu.memory_space<vmem>>
      %dma_start3A_226 = arith.constant 0 : i32
      %dma_start3A_227 = tpu.memref_slice %arg7[%add3A, %multiple_of3A_189, %dma_start3A_226] : memref<32x5120x64xbf16, #tpu.memory_space<hbm>> -> memref<1x128x64xbf16, #tpu.memory_space<hbm>>
      %dma_start3A_228 = tpu.memref_squeeze %dma_start3A_227 : memref<1x128x64xbf16, #tpu.memory_space<hbm>> -> memref<128x64xbf16, #tpu.memory_space<hbm>>
      %dma_start3A_229 = tpu.memref_slice %arg15[%select_n3A_221] : memref<4x!tpu.dma_semaphore, #tpu.memory_space<semaphore_mem>> -> memref<1x!tpu.dma_semaphore, #tpu.memory_space<semaphore_mem>>
      %dma_start3A_230 = tpu.memref_squeeze %dma_start3A_229 : memref<1x!tpu.dma_semaphore, #tpu.memory_space<semaphore_mem>> -> memref<!tpu.dma_semaphore, #tpu.memory_space<semaphore_mem>>
      %dma_start3A_231 = arith.constant 0 : i32
      %dma_start3A_232 = tpu.memref_slice %arg7[%add3A, %multiple_of3A_189, %dma_start3A_231] : memref<32x5120x64xbf16, #tpu.memory_space<hbm>> -> memref<1x128x64xbf16, #tpu.memory_space<hbm>>
      %dma_start3A_233 = tpu.memref_squeeze %dma_start3A_232 : memref<1x128x64xbf16, #tpu.memory_space<hbm>> -> memref<128x64xbf16, #tpu.memory_space<hbm>>
      %dma_start3A_234 = arith.constant 0 : i32
      %dma_start3A_235 = arith.constant 0 : i32
      %dma_start3A_236 = tpu.memref_slice %arg11[%select_n3A_205, %dma_start3A_234, %dma_start3A_235] : memref<4x128x64xbf16, #tpu.memory_space<vmem>> -> memref<1x128x64xbf16, #tpu.memory_space<vmem>>
      %dma_start3A_237 = tpu.memref_squeeze %dma_start3A_236 : memref<1x128x64xbf16, #tpu.memory_space<vmem>> -> memref<128x64xbf16, #tpu.memory_space<vmem>>
      tpu.enqueue_dma source(%dma_start3A_237 : memref<128x64xbf16, #tpu.memory_space<vmem>>) target(%dma_start3A_233 : memref<128x64xbf16, #tpu.memory_space<hbm>>) target_semaphore(%dma_start3A_230 : memref<!tpu.dma_semaphore, #tpu.memory_space<semaphore_mem>>)
    }
    %scan3A_118 = arith.constant 40 : i32
    %multiple_of3A_119 = arith.constant 4992 : i32
    %multiple_of3A_120 = tpu.assume_multiple %multiple_of3A_119, 128 : i32
    %dma_wait3A_121 = arith.constant 3 : i32
    %dma_wait3A_122 = arith.constant 3 : i32
    %dma_wait3A_123 = arith.constant 0 : i32
    %dma_wait3A_124 = arith.constant 0 : i32
    %dma_wait3A_125 = tpu.memref_slice %arg11[%dma_wait3A_121, %dma_wait3A_123, %dma_wait3A_124] : memref<4x128x64xbf16, #tpu.memory_space<vmem>> -> memref<1x128x64xbf16, #tpu.memory_space<vmem>>
    %dma_wait3A_126 = tpu.memref_squeeze %dma_wait3A_125 : memref<1x128x64xbf16, #tpu.memory_space<vmem>> -> memref<128x64xbf16, #tpu.memory_space<vmem>>
    %dma_wait3A_127 = arith.constant 0 : i32
    %dma_wait3A_128 = tpu.memref_slice %arg7[%add3A, %multiple_of3A_120, %dma_wait3A_127] : memref<32x5120x64xbf16, #tpu.memory_space<hbm>> -> memref<1x128x64xbf16, #tpu.memory_space<hbm>>
    %dma_wait3A_129 = tpu.memref_squeeze %dma_wait3A_128 : memref<1x128x64xbf16, #tpu.memory_space<hbm>> -> memref<128x64xbf16, #tpu.memory_space<hbm>>
    %dma_wait3A_130 = tpu.memref_slice %arg15[%dma_wait3A_122] : memref<4x!tpu.dma_semaphore, #tpu.memory_space<semaphore_mem>> -> memref<1x!tpu.dma_semaphore, #tpu.memory_space<semaphore_mem>>
    %dma_wait3A_131 = tpu.memref_squeeze %dma_wait3A_130 : memref<1x!tpu.dma_semaphore, #tpu.memory_space<semaphore_mem>> -> memref<!tpu.dma_semaphore, #tpu.memory_space<semaphore_mem>>
    %dma_wait3A_132 = arith.constant 0 : i32
    %dma_wait3A_133 = tpu.memref_slice %arg7[%add3A, %multiple_of3A_120, %dma_wait3A_132] : memref<32x5120x64xbf16, #tpu.memory_space<hbm>> -> memref<1x128x64xbf16, #tpu.memory_space<hbm>>
    %dma_wait3A_134 = tpu.memref_squeeze %dma_wait3A_133 : memref<1x128x64xbf16, #tpu.memory_space<hbm>> -> memref<128x64xbf16, #tpu.memory_space<hbm>>
    %dma_wait3A_135 = arith.constant 0 : i32
    %dma_wait3A_136 = arith.constant 0 : i32
    %dma_wait3A_137 = tpu.memref_slice %arg11[%dma_wait3A_121, %dma_wait3A_135, %dma_wait3A_136] : memref<4x128x64xbf16, #tpu.memory_space<vmem>> -> memref<1x128x64xbf16, #tpu.memory_space<vmem>>
    %dma_wait3A_138 = tpu.memref_squeeze %dma_wait3A_137 : memref<1x128x64xbf16, #tpu.memory_space<vmem>> -> memref<128x64xbf16, #tpu.memory_space<vmem>>
    tpu.wait_dma2 semaphore(%dma_wait3A_131 : memref<!tpu.dma_semaphore, #tpu.memory_space<semaphore_mem>>) src(%dma_wait3A_138 : memref<128x64xbf16, #tpu.memory_space<vmem>>) dst(%dma_wait3A_134 : memref<128x64xbf16, #tpu.memory_space<hbm>>)
    return
  }
}

module attributes {stable_mosaic.version = 14 : i64} {
  func.func @_mlp_body(%arg0: i32, %arg1: memref<1x1280x128xbf16, #tpu.memory_space<vmem>>, %arg2: memref<1x1280x256xbf16, #tpu.memory_space<vmem>>, %arg3: memref<128x1024xbf16, #tpu.memory_space<vmem>>, %arg4: memref<256x1024xbf16, #tpu.memory_space<vmem>>, %arg5: memref<1x1024xbf16, #tpu.memory_space<vmem>>, %arg6: memref<1024x512xbf16, #tpu.memory_space<vmem>>, %arg7: memref<1x512xbf16, #tpu.memory_space<vmem>>, %arg8: memref<2560x2048xbf16, #tpu.memory_space<vmem>>, %arg9: memref<1x2048xbf16, #tpu.memory_space<vmem>>, %arg10: memref<2048x1024xbf16, #tpu.memory_space<vmem>>, %arg11: memref<1x1024xbf16, #tpu.memory_space<vmem>>, %arg12: memref<1024x2048xbf16, #tpu.memory_space<vmem>>, %arg13: memref<1024x2048xbf16, #tpu.memory_space<vmem>>, %arg14: memref<1x2048xbf16, #tpu.memory_space<vmem>>, %arg15: memref<2048x2xbf16, #tpu.memory_space<vmem>>, %arg16: memref<1x2xf32, #tpu.memory_space<vmem>>, %arg17: memref<1x128x2xf32, #tpu.memory_space<vmem>>) attributes {dimension_semantics = [#tpu.dimension_semantics<arbitrary>], iteration_bounds = array<i64: 32>, scalar_prefetch = 0 : i64, scratch_operands = 0 : i64, tpu.core_type = #tpu.core_type<tc>, window_params = [{transform_indices = @transform_0, window_bounds = array<i64: 1, 1280, 128>}, {transform_indices = @transform_1, window_bounds = array<i64: 1, 1280, 256>}, {pipeline_mode = #tpu.pipeline_mode<synchronous>, transform_indices = @transform_2, window_bounds = array<i64: 128, 1024>}, {pipeline_mode = #tpu.pipeline_mode<synchronous>, transform_indices = @transform_3, window_bounds = array<i64: 256, 1024>}, {pipeline_mode = #tpu.pipeline_mode<synchronous>, transform_indices = @transform_4, window_bounds = array<i64: 1, 1024>}, {pipeline_mode = #tpu.pipeline_mode<synchronous>, transform_indices = @transform_5, window_bounds = array<i64: 1024, 512>}, {pipeline_mode = #tpu.pipeline_mode<synchronous>, transform_indices = @transform_6, window_bounds = array<i64: 1, 512>}, {pipeline_mode = #tpu.pipeline_mode<synchronous>, transform_indices = @transform_7, window_bounds = array<i64: 2560, 2048>}, {pipeline_mode = #tpu.pipeline_mode<synchronous>, transform_indices = @transform_8, window_bounds = array<i64: 1, 2048>}, {pipeline_mode = #tpu.pipeline_mode<synchronous>, transform_indices = @transform_9, window_bounds = array<i64: 2048, 1024>}, {pipeline_mode = #tpu.pipeline_mode<synchronous>, transform_indices = @transform_10, window_bounds = array<i64: 1, 1024>}, {pipeline_mode = #tpu.pipeline_mode<synchronous>, transform_indices = @transform_11, window_bounds = array<i64: 1024, 2048>}, {pipeline_mode = #tpu.pipeline_mode<synchronous>, transform_indices = @transform_12, window_bounds = array<i64: 1024, 2048>}, {pipeline_mode = #tpu.pipeline_mode<synchronous>, transform_indices = @transform_13, window_bounds = array<i64: 1, 2048>}, {pipeline_mode = #tpu.pipeline_mode<synchronous>, transform_indices = @transform_14, window_bounds = array<i64: 2048, 2>}, {pipeline_mode = #tpu.pipeline_mode<synchronous>, transform_indices = @transform_15, window_bounds = array<i64: 1, 2>}, {transform_indices = @transform_16, window_bounds = array<i64: 1, 128, 2>}]} {
    %get3A = arith.constant 0 : index
    %get3A_0 = arith.constant 0 : index
    %get3A_1 = arith.constant 0 : index
    %get3A_2 = vector.load %arg1[%get3A, %get3A_0, %get3A_1] : memref<1x1280x128xbf16, #tpu.memory_space<vmem>>, vector<1x1280x128xbf16>
    %get3A_3 = vector.shape_cast %get3A_2 : vector<1x1280x128xbf16> to vector<1280x128xbf16>
    %get3A_4 = arith.constant 0 : index
    %get3A_5 = arith.constant 0 : index
    %get3A_6 = arith.constant 0 : index
    %get3A_7 = vector.load %arg2[%get3A_4, %get3A_5, %get3A_6] : memref<1x1280x256xbf16, #tpu.memory_space<vmem>>, vector<1x1280x256xbf16>
    %get3A_8 = vector.shape_cast %get3A_7 : vector<1x1280x256xbf16> to vector<1280x256xbf16>
    %get3A_9 = arith.constant 0 : index
    %get3A_10 = arith.constant 0 : index
    %get3A_11 = vector.load %arg3[%get3A_9, %get3A_10] : memref<128x1024xbf16, #tpu.memory_space<vmem>>, vector<128x1024xbf16>
    %dot_general3A = arith.constant dense<0.000000e+00> : vector<1280x1024xf32>
    %dot_general3A_12 = tpu.matmul %get3A_3, %get3A_11, %dot_general3A {dimension_numbers = #tpu.dot_dimension_numbers<[1], [0], [0], [1], [0, 0, 1, 1], [], []>, transpose_lhs_hint = false} : vector<1280x128xbf16>, vector<128x1024xbf16>, vector<1280x1024xf32> -> vector<1280x1024xf32>
    %get3A_13 = arith.constant 0 : index
    %get3A_14 = arith.constant 0 : index
    %get3A_15 = vector.load %arg4[%get3A_13, %get3A_14] : memref<256x1024xbf16, #tpu.memory_space<vmem>>, vector<256x1024xbf16>
    %dot_general3A_16 = arith.constant dense<0.000000e+00> : vector<1280x1024xf32>
    %dot_general3A_17 = tpu.matmul %get3A_8, %get3A_15, %dot_general3A_16 {dimension_numbers = #tpu.dot_dimension_numbers<[1], [0], [0], [1], [0, 0, 1, 1], [], []>, transpose_lhs_hint = false} : vector<1280x256xbf16>, vector<256x1024xbf16>, vector<1280x1024xf32> -> vector<1280x1024xf32>
    %add3A = arith.addf %dot_general3A_12, %dot_general3A_17 : vector<1280x1024xf32>
    %get3A_18 = arith.constant 0 : index
    %get3A_19 = arith.constant 0 : index
    %get3A_20 = vector.load %arg5[%get3A_18, %get3A_19] : memref<1x1024xbf16, #tpu.memory_space<vmem>>, vector<1x1024xbf16>
    %convert_element_type3A = arith.extf %get3A_20 : vector<1x1024xbf16> to vector<1x1024xf32>
    %add3A_21 = vector.broadcast %convert_element_type3A : vector<1x1024xf32> to vector<1280x1024xf32>
    %add3A_22 = arith.addf %add3A, %add3A_21 : vector<1280x1024xf32>
    %jit3A = arith.constant 0.00999999977 : f32
    %ge3A = arith.constant 0.000000e+00 : f32
    %ge3A_23 = vector.broadcast %ge3A : f32 to vector<1280x1024xf32>
    %ge3A_24 = arith.cmpf oge, %add3A_22, %ge3A_23 : vector<1280x1024xf32>
    %mul3A = vector.broadcast %jit3A : f32 to vector<1280x1024xf32>
    %mul3A_25 = arith.mulf %mul3A, %add3A_22 : vector<1280x1024xf32>
    %select_n3A = arith.select %ge3A_24, %add3A_22, %mul3A_25 : vector<1280x1024xi1>, vector<1280x1024xf32>
    %convert_element_type3A_26 = arith.truncf %select_n3A : vector<1280x1024xf32> to vector<1280x1024xbf16>
    %get3A_27 = arith.constant 0 : index
    %get3A_28 = arith.constant 0 : index
    %get3A_29 = vector.load %arg6[%get3A_27, %get3A_28] : memref<1024x512xbf16, #tpu.memory_space<vmem>>, vector<1024x512xbf16>
    %dot_general3A_30 = arith.constant dense<0.000000e+00> : vector<1280x512xf32>
    %dot_general3A_31 = tpu.matmul %convert_element_type3A_26, %get3A_29, %dot_general3A_30 {dimension_numbers = #tpu.dot_dimension_numbers<[1], [0], [0], [1], [0, 0, 1, 1], [], []>, transpose_lhs_hint = false} : vector<1280x1024xbf16>, vector<1024x512xbf16>, vector<1280x512xf32> -> vector<1280x512xf32>
    %get3A_32 = arith.constant 0 : index
    %get3A_33 = arith.constant 0 : index
    %get3A_34 = vector.load %arg7[%get3A_32, %get3A_33] : memref<1x512xbf16, #tpu.memory_space<vmem>>, vector<1x512xbf16>
    %convert_element_type3A_35 = arith.extf %get3A_34 : vector<1x512xbf16> to vector<1x512xf32>
    %add3A_36 = vector.broadcast %convert_element_type3A_35 : vector<1x512xf32> to vector<1280x512xf32>
    %add3A_37 = arith.addf %dot_general3A_31, %add3A_36 : vector<1280x512xf32>
    %jit3A_38 = arith.constant 0.00999999977 : f32
    %ge3A_39 = arith.constant 0.000000e+00 : f32
    %ge3A_40 = vector.broadcast %ge3A_39 : f32 to vector<1280x512xf32>
    %ge3A_41 = arith.cmpf oge, %add3A_37, %ge3A_40 : vector<1280x512xf32>
    %mul3A_42 = vector.broadcast %jit3A_38 : f32 to vector<1280x512xf32>
    %mul3A_43 = arith.mulf %mul3A_42, %add3A_37 : vector<1280x512xf32>
    %select_n3A_44 = arith.select %ge3A_41, %add3A_37, %mul3A_43 : vector<1280x512xi1>, vector<1280x512xf32>
    %convert_element_type3A_45 = arith.truncf %select_n3A_44 : vector<1280x512xf32> to vector<1280x512xbf16>
    %broadcast_in_dim3A = arith.constant 0.000000e+00 : f32
    %broadcast_in_dim3A_46 = vector.broadcast %broadcast_in_dim3A : f32 to vector<128x2048xf32>
    %broadcast_in_dim3A_47 = arith.constant 0.000000e+00 : f32
    %broadcast_in_dim3A_48 = vector.broadcast %broadcast_in_dim3A_47 : f32 to vector<128x2048xf32>
    %get3A_49 = arith.constant 0 : index
    %get3A_50 = arith.constant 0 : index
    %get3A_51 = vector.load %arg8[%get3A_49, %get3A_50] : memref<2560x2048xbf16, #tpu.memory_space<vmem>>, vector<512x2048xbf16>
    %slice3A = vector.extract_strided_slice %convert_element_type3A_45 {offsets = [0, 0], sizes = [128, 512], strides = [1, 1]} : vector<1280x512xbf16> to vector<128x512xbf16>
    %slice3A_52 = vector.extract_strided_slice %convert_element_type3A_45 {offsets = [640, 0], sizes = [128, 512], strides = [1, 1]} : vector<1280x512xbf16> to vector<128x512xbf16>
    %dot_general3A_53 = arith.constant dense<0.000000e+00> : vector<128x2048xf32>
    %dot_general3A_54 = tpu.matmul %slice3A, %get3A_51, %dot_general3A_53 {dimension_numbers = #tpu.dot_dimension_numbers<[1], [0], [0], [1], [0, 0, 1, 1], [], []>, transpose_lhs_hint = false} : vector<128x512xbf16>, vector<512x2048xbf16>, vector<128x2048xf32> -> vector<128x2048xf32>
    %add3A_55 = arith.addf %broadcast_in_dim3A_46, %dot_general3A_54 : vector<128x2048xf32>
    %dot_general3A_56 = arith.constant dense<0.000000e+00> : vector<128x2048xf32>
    %dot_general3A_57 = tpu.matmul %slice3A_52, %get3A_51, %dot_general3A_56 {dimension_numbers = #tpu.dot_dimension_numbers<[1], [0], [0], [1], [0, 0, 1, 1], [], []>, transpose_lhs_hint = false} : vector<128x512xbf16>, vector<512x2048xbf16>, vector<128x2048xf32> -> vector<128x2048xf32>
    %add3A_58 = arith.addf %broadcast_in_dim3A_48, %dot_general3A_57 : vector<128x2048xf32>
    %get3A_59 = arith.constant 512 : index
    %get3A_60 = arith.constant 0 : index
    %get3A_61 = vector.load %arg8[%get3A_59, %get3A_60] : memref<2560x2048xbf16, #tpu.memory_space<vmem>>, vector<512x2048xbf16>
    %slice3A_62 = vector.extract_strided_slice %convert_element_type3A_45 {offsets = [128, 0], sizes = [128, 512], strides = [1, 1]} : vector<1280x512xbf16> to vector<128x512xbf16>
    %slice3A_63 = vector.extract_strided_slice %convert_element_type3A_45 {offsets = [768, 0], sizes = [128, 512], strides = [1, 1]} : vector<1280x512xbf16> to vector<128x512xbf16>
    %dot_general3A_64 = arith.constant dense<0.000000e+00> : vector<128x2048xf32>
    %dot_general3A_65 = tpu.matmul %slice3A_62, %get3A_61, %dot_general3A_64 {dimension_numbers = #tpu.dot_dimension_numbers<[1], [0], [0], [1], [0, 0, 1, 1], [], []>, transpose_lhs_hint = false} : vector<128x512xbf16>, vector<512x2048xbf16>, vector<128x2048xf32> -> vector<128x2048xf32>
    %add3A_66 = arith.addf %add3A_55, %dot_general3A_65 : vector<128x2048xf32>
    %dot_general3A_67 = arith.constant dense<0.000000e+00> : vector<128x2048xf32>
    %dot_general3A_68 = tpu.matmul %slice3A_63, %get3A_61, %dot_general3A_67 {dimension_numbers = #tpu.dot_dimension_numbers<[1], [0], [0], [1], [0, 0, 1, 1], [], []>, transpose_lhs_hint = false} : vector<128x512xbf16>, vector<512x2048xbf16>, vector<128x2048xf32> -> vector<128x2048xf32>
    %add3A_69 = arith.addf %add3A_58, %dot_general3A_68 : vector<128x2048xf32>
    %get3A_70 = arith.constant 1024 : index
    %get3A_71 = arith.constant 0 : index
    %get3A_72 = vector.load %arg8[%get3A_70, %get3A_71] : memref<2560x2048xbf16, #tpu.memory_space<vmem>>, vector<512x2048xbf16>
    %slice3A_73 = vector.extract_strided_slice %convert_element_type3A_45 {offsets = [256, 0], sizes = [128, 512], strides = [1, 1]} : vector<1280x512xbf16> to vector<128x512xbf16>
    %slice3A_74 = vector.extract_strided_slice %convert_element_type3A_45 {offsets = [896, 0], sizes = [128, 512], strides = [1, 1]} : vector<1280x512xbf16> to vector<128x512xbf16>
    %dot_general3A_75 = arith.constant dense<0.000000e+00> : vector<128x2048xf32>
    %dot_general3A_76 = tpu.matmul %slice3A_73, %get3A_72, %dot_general3A_75 {dimension_numbers = #tpu.dot_dimension_numbers<[1], [0], [0], [1], [0, 0, 1, 1], [], []>, transpose_lhs_hint = false} : vector<128x512xbf16>, vector<512x2048xbf16>, vector<128x2048xf32> -> vector<128x2048xf32>
    %add3A_77 = arith.addf %add3A_66, %dot_general3A_76 : vector<128x2048xf32>
    %dot_general3A_78 = arith.constant dense<0.000000e+00> : vector<128x2048xf32>
    %dot_general3A_79 = tpu.matmul %slice3A_74, %get3A_72, %dot_general3A_78 {dimension_numbers = #tpu.dot_dimension_numbers<[1], [0], [0], [1], [0, 0, 1, 1], [], []>, transpose_lhs_hint = false} : vector<128x512xbf16>, vector<512x2048xbf16>, vector<128x2048xf32> -> vector<128x2048xf32>
    %add3A_80 = arith.addf %add3A_69, %dot_general3A_79 : vector<128x2048xf32>
    %get3A_81 = arith.constant 1536 : index
    %get3A_82 = arith.constant 0 : index
    %get3A_83 = vector.load %arg8[%get3A_81, %get3A_82] : memref<2560x2048xbf16, #tpu.memory_space<vmem>>, vector<512x2048xbf16>
    %slice3A_84 = vector.extract_strided_slice %convert_element_type3A_45 {offsets = [384, 0], sizes = [128, 512], strides = [1, 1]} : vector<1280x512xbf16> to vector<128x512xbf16>
    %slice3A_85 = vector.extract_strided_slice %convert_element_type3A_45 {offsets = [1024, 0], sizes = [128, 512], strides = [1, 1]} : vector<1280x512xbf16> to vector<128x512xbf16>
    %dot_general3A_86 = arith.constant dense<0.000000e+00> : vector<128x2048xf32>
    %dot_general3A_87 = tpu.matmul %slice3A_84, %get3A_83, %dot_general3A_86 {dimension_numbers = #tpu.dot_dimension_numbers<[1], [0], [0], [1], [0, 0, 1, 1], [], []>, transpose_lhs_hint = false} : vector<128x512xbf16>, vector<512x2048xbf16>, vector<128x2048xf32> -> vector<128x2048xf32>
    %add3A_88 = arith.addf %add3A_77, %dot_general3A_87 : vector<128x2048xf32>
    %dot_general3A_89 = arith.constant dense<0.000000e+00> : vector<128x2048xf32>
    %dot_general3A_90 = tpu.matmul %slice3A_85, %get3A_83, %dot_general3A_89 {dimension_numbers = #tpu.dot_dimension_numbers<[1], [0], [0], [1], [0, 0, 1, 1], [], []>, transpose_lhs_hint = false} : vector<128x512xbf16>, vector<512x2048xbf16>, vector<128x2048xf32> -> vector<128x2048xf32>
    %add3A_91 = arith.addf %add3A_80, %dot_general3A_90 : vector<128x2048xf32>
    %get3A_92 = arith.constant 2048 : index
    %get3A_93 = arith.constant 0 : index
    %get3A_94 = vector.load %arg8[%get3A_92, %get3A_93] : memref<2560x2048xbf16, #tpu.memory_space<vmem>>, vector<512x2048xbf16>
    %slice3A_95 = vector.extract_strided_slice %convert_element_type3A_45 {offsets = [512, 0], sizes = [128, 512], strides = [1, 1]} : vector<1280x512xbf16> to vector<128x512xbf16>
    %slice3A_96 = vector.extract_strided_slice %convert_element_type3A_45 {offsets = [1152, 0], sizes = [128, 512], strides = [1, 1]} : vector<1280x512xbf16> to vector<128x512xbf16>
    %dot_general3A_97 = arith.constant dense<0.000000e+00> : vector<128x2048xf32>
    %dot_general3A_98 = tpu.matmul %slice3A_95, %get3A_94, %dot_general3A_97 {dimension_numbers = #tpu.dot_dimension_numbers<[1], [0], [0], [1], [0, 0, 1, 1], [], []>, transpose_lhs_hint = false} : vector<128x512xbf16>, vector<512x2048xbf16>, vector<128x2048xf32> -> vector<128x2048xf32>
    %add3A_99 = arith.addf %add3A_88, %dot_general3A_98 : vector<128x2048xf32>
    %dot_general3A_100 = arith.constant dense<0.000000e+00> : vector<128x2048xf32>
    %dot_general3A_101 = tpu.matmul %slice3A_96, %get3A_94, %dot_general3A_100 {dimension_numbers = #tpu.dot_dimension_numbers<[1], [0], [0], [1], [0, 0, 1, 1], [], []>, transpose_lhs_hint = false} : vector<128x512xbf16>, vector<512x2048xbf16>, vector<128x2048xf32> -> vector<128x2048xf32>
    %add3A_102 = arith.addf %add3A_91, %dot_general3A_101 : vector<128x2048xf32>
    %get3A_103 = arith.constant 0 : index
    %get3A_104 = arith.constant 0 : index
    %get3A_105 = vector.load %arg9[%get3A_103, %get3A_104] : memref<1x2048xbf16, #tpu.memory_space<vmem>>, vector<1x2048xbf16>
    %convert_element_type3A_106 = arith.extf %get3A_105 : vector<1x2048xbf16> to vector<1x2048xf32>
    %add3A_107 = vector.broadcast %convert_element_type3A_106 : vector<1x2048xf32> to vector<128x2048xf32>
    %add3A_108 = arith.addf %add3A_99, %add3A_107 : vector<128x2048xf32>
    %jit3A_109 = arith.constant 0.00999999977 : f32
    %ge3A_110 = arith.constant 0.000000e+00 : f32
    %ge3A_111 = vector.broadcast %ge3A_110 : f32 to vector<128x2048xf32>
    %ge3A_112 = arith.cmpf oge, %add3A_108, %ge3A_111 : vector<128x2048xf32>
    %mul3A_113 = vector.broadcast %jit3A_109 : f32 to vector<128x2048xf32>
    %mul3A_114 = arith.mulf %mul3A_113, %add3A_108 : vector<128x2048xf32>
    %select_n3A_115 = arith.select %ge3A_112, %add3A_108, %mul3A_114 : vector<128x2048xi1>, vector<128x2048xf32>
    %convert_element_type3A_116 = arith.truncf %select_n3A_115 : vector<128x2048xf32> to vector<128x2048xbf16>
    %get3A_117 = arith.constant 0 : index
    %get3A_118 = arith.constant 0 : index
    %get3A_119 = vector.load %arg9[%get3A_117, %get3A_118] : memref<1x2048xbf16, #tpu.memory_space<vmem>>, vector<1x2048xbf16>
    %convert_element_type3A_120 = arith.extf %get3A_119 : vector<1x2048xbf16> to vector<1x2048xf32>
    %add3A_121 = vector.broadcast %convert_element_type3A_120 : vector<1x2048xf32> to vector<128x2048xf32>
    %add3A_122 = arith.addf %add3A_102, %add3A_121 : vector<128x2048xf32>
    %jit3A_123 = arith.constant 0.00999999977 : f32
    %ge3A_124 = arith.constant 0.000000e+00 : f32
    %ge3A_125 = vector.broadcast %ge3A_124 : f32 to vector<128x2048xf32>
    %ge3A_126 = arith.cmpf oge, %add3A_122, %ge3A_125 : vector<128x2048xf32>
    %mul3A_127 = vector.broadcast %jit3A_123 : f32 to vector<128x2048xf32>
    %mul3A_128 = arith.mulf %mul3A_127, %add3A_122 : vector<128x2048xf32>
    %select_n3A_129 = arith.select %ge3A_126, %add3A_122, %mul3A_128 : vector<128x2048xi1>, vector<128x2048xf32>
    %convert_element_type3A_130 = arith.truncf %select_n3A_129 : vector<128x2048xf32> to vector<128x2048xbf16>
    %get3A_131 = arith.constant 0 : index
    %get3A_132 = arith.constant 0 : index
    %get3A_133 = vector.load %arg10[%get3A_131, %get3A_132] : memref<2048x1024xbf16, #tpu.memory_space<vmem>>, vector<2048x1024xbf16>
    %dot_general3A_134 = arith.constant dense<0.000000e+00> : vector<128x1024xf32>
    %dot_general3A_135 = tpu.matmul %convert_element_type3A_116, %get3A_133, %dot_general3A_134 {dimension_numbers = #tpu.dot_dimension_numbers<[1], [0], [0], [1], [0, 0, 1, 1], [], []>, transpose_lhs_hint = false} : vector<128x2048xbf16>, vector<2048x1024xbf16>, vector<128x1024xf32> -> vector<128x1024xf32>
    %get3A_136 = arith.constant 0 : index
    %get3A_137 = arith.constant 0 : index
    %get3A_138 = vector.load %arg11[%get3A_136, %get3A_137] : memref<1x1024xbf16, #tpu.memory_space<vmem>>, vector<1x1024xbf16>
    %convert_element_type3A_139 = arith.extf %get3A_138 : vector<1x1024xbf16> to vector<1x1024xf32>
    %add3A_140 = vector.broadcast %convert_element_type3A_139 : vector<1x1024xf32> to vector<128x1024xf32>
    %add3A_141 = arith.addf %dot_general3A_135, %add3A_140 : vector<128x1024xf32>
    %jit3A_142 = arith.constant 0.00999999977 : f32
    %ge3A_143 = arith.constant 0.000000e+00 : f32
    %ge3A_144 = vector.broadcast %ge3A_143 : f32 to vector<128x1024xf32>
    %ge3A_145 = arith.cmpf oge, %add3A_141, %ge3A_144 : vector<128x1024xf32>
    %mul3A_146 = vector.broadcast %jit3A_142 : f32 to vector<128x1024xf32>
    %mul3A_147 = arith.mulf %mul3A_146, %add3A_141 : vector<128x1024xf32>
    %select_n3A_148 = arith.select %ge3A_145, %add3A_141, %mul3A_147 : vector<128x1024xi1>, vector<128x1024xf32>
    %convert_element_type3A_149 = arith.truncf %select_n3A_148 : vector<128x1024xf32> to vector<128x1024xbf16>
    %get3A_150 = arith.constant 0 : index
    %get3A_151 = arith.constant 0 : index
    %get3A_152 = vector.load %arg10[%get3A_150, %get3A_151] : memref<2048x1024xbf16, #tpu.memory_space<vmem>>, vector<2048x1024xbf16>
    %dot_general3A_153 = arith.constant dense<0.000000e+00> : vector<128x1024xf32>
    %dot_general3A_154 = tpu.matmul %convert_element_type3A_130, %get3A_152, %dot_general3A_153 {dimension_numbers = #tpu.dot_dimension_numbers<[1], [0], [0], [1], [0, 0, 1, 1], [], []>, transpose_lhs_hint = false} : vector<128x2048xbf16>, vector<2048x1024xbf16>, vector<128x1024xf32> -> vector<128x1024xf32>
    %get3A_155 = arith.constant 0 : index
    %get3A_156 = arith.constant 0 : index
    %get3A_157 = vector.load %arg11[%get3A_155, %get3A_156] : memref<1x1024xbf16, #tpu.memory_space<vmem>>, vector<1x1024xbf16>
    %convert_element_type3A_158 = arith.extf %get3A_157 : vector<1x1024xbf16> to vector<1x1024xf32>
    %add3A_159 = vector.broadcast %convert_element_type3A_158 : vector<1x1024xf32> to vector<128x1024xf32>
    %add3A_160 = arith.addf %dot_general3A_154, %add3A_159 : vector<128x1024xf32>
    %jit3A_161 = arith.constant 0.00999999977 : f32
    %ge3A_162 = arith.constant 0.000000e+00 : f32
    %ge3A_163 = vector.broadcast %ge3A_162 : f32 to vector<128x1024xf32>
    %ge3A_164 = arith.cmpf oge, %add3A_160, %ge3A_163 : vector<128x1024xf32>
    %mul3A_165 = vector.broadcast %jit3A_161 : f32 to vector<128x1024xf32>
    %mul3A_166 = arith.mulf %mul3A_165, %add3A_160 : vector<128x1024xf32>
    %select_n3A_167 = arith.select %ge3A_164, %add3A_160, %mul3A_166 : vector<128x1024xi1>, vector<128x1024xf32>
    %convert_element_type3A_168 = arith.truncf %select_n3A_167 : vector<128x1024xf32> to vector<128x1024xbf16>
    %get3A_169 = arith.constant 0 : index
    %get3A_170 = arith.constant 0 : index
    %get3A_171 = vector.load %arg12[%get3A_169, %get3A_170] : memref<1024x2048xbf16, #tpu.memory_space<vmem>>, vector<1024x2048xbf16>
    %dot_general3A_172 = arith.constant dense<0.000000e+00> : vector<128x2048xf32>
    %dot_general3A_173 = tpu.matmul %convert_element_type3A_149, %get3A_171, %dot_general3A_172 {dimension_numbers = #tpu.dot_dimension_numbers<[1], [0], [0], [1], [0, 0, 1, 1], [], []>, transpose_lhs_hint = false} : vector<128x1024xbf16>, vector<1024x2048xbf16>, vector<128x2048xf32> -> vector<128x2048xf32>
    %get3A_174 = arith.constant 0 : index
    %get3A_175 = arith.constant 0 : index
    %get3A_176 = vector.load %arg13[%get3A_174, %get3A_175] : memref<1024x2048xbf16, #tpu.memory_space<vmem>>, vector<1024x2048xbf16>
    %dot_general3A_177 = arith.constant dense<0.000000e+00> : vector<128x2048xf32>
    %dot_general3A_178 = tpu.matmul %convert_element_type3A_168, %get3A_176, %dot_general3A_177 {dimension_numbers = #tpu.dot_dimension_numbers<[1], [0], [0], [1], [0, 0, 1, 1], [], []>, transpose_lhs_hint = false} : vector<128x1024xbf16>, vector<1024x2048xbf16>, vector<128x2048xf32> -> vector<128x2048xf32>
    %add3A_179 = arith.addf %dot_general3A_173, %dot_general3A_178 : vector<128x2048xf32>
    %get3A_180 = arith.constant 0 : index
    %get3A_181 = arith.constant 0 : index
    %get3A_182 = vector.load %arg14[%get3A_180, %get3A_181] : memref<1x2048xbf16, #tpu.memory_space<vmem>>, vector<1x2048xbf16>
    %convert_element_type3A_183 = arith.extf %get3A_182 : vector<1x2048xbf16> to vector<1x2048xf32>
    %add3A_184 = vector.broadcast %convert_element_type3A_183 : vector<1x2048xf32> to vector<128x2048xf32>
    %add3A_185 = arith.addf %add3A_179, %add3A_184 : vector<128x2048xf32>
    %jit3A_186 = arith.constant 0.00999999977 : f32
    %ge3A_187 = arith.constant 0.000000e+00 : f32
    %ge3A_188 = vector.broadcast %ge3A_187 : f32 to vector<128x2048xf32>
    %ge3A_189 = arith.cmpf oge, %add3A_185, %ge3A_188 : vector<128x2048xf32>
    %mul3A_190 = vector.broadcast %jit3A_186 : f32 to vector<128x2048xf32>
    %mul3A_191 = arith.mulf %mul3A_190, %add3A_185 : vector<128x2048xf32>
    %select_n3A_192 = arith.select %ge3A_189, %add3A_185, %mul3A_191 : vector<128x2048xi1>, vector<128x2048xf32>
    %convert_element_type3A_193 = arith.truncf %select_n3A_192 : vector<128x2048xf32> to vector<128x2048xbf16>
    %get3A_194 = arith.constant 0 : index
    %get3A_195 = arith.constant 0 : index
    %get3A_196 = vector.load %arg15[%get3A_194, %get3A_195] : memref<2048x2xbf16, #tpu.memory_space<vmem>>, vector<2048x2xbf16>
    %dot_general3A_197 = arith.constant dense<0.000000e+00> : vector<128x2xf32>
    %dot_general3A_198 = tpu.matmul %convert_element_type3A_193, %get3A_196, %dot_general3A_197 {dimension_numbers = #tpu.dot_dimension_numbers<[1], [0], [0], [1], [0, 0, 1, 1], [], []>, transpose_lhs_hint = false} : vector<128x2048xbf16>, vector<2048x2xbf16>, vector<128x2xf32> -> vector<128x2xf32>
    %get3A_199 = arith.constant 0 : index
    %get3A_200 = arith.constant 0 : index
    %get3A_201 = vector.load %arg16[%get3A_199, %get3A_200] : memref<1x2xf32, #tpu.memory_space<vmem>>, vector<1x2xf32>
    %add3A_202 = vector.broadcast %get3A_201 : vector<1x2xf32> to vector<128x2xf32>
    %add3A_203 = arith.addf %dot_general3A_198, %add3A_202 : vector<128x2xf32>
    %reduce_max3A = arith.constant dense<0xFF800000> : vector<128xf32>
    %reduce_max3A_204 = vector.multi_reduction <maximumf>, %add3A_203, %reduce_max3A [1] : vector<128x2xf32> to vector<128xf32>
    %broadcast_in_dim3A_205 = vector.shape_cast %reduce_max3A_204 : vector<128xf32> to vector<128x1xf32>
    %sub3A = vector.broadcast %broadcast_in_dim3A_205 : vector<128x1xf32> to vector<128x2xf32>
    %sub3A_206 = arith.subf %add3A_203, %sub3A : vector<128x2xf32>
    %exp3A = math.exp %sub3A_206 : vector<128x2xf32>
    %reduce_sum3A = arith.constant dense<0.000000e+00> : vector<128xf32>
    %reduce_sum3A_207 = vector.multi_reduction <add>, %exp3A, %reduce_sum3A [1] : vector<128x2xf32> to vector<128xf32>
    %broadcast_in_dim3A_208 = vector.shape_cast %reduce_sum3A_207 : vector<128xf32> to vector<128x1xf32>
    %div3A = vector.broadcast %broadcast_in_dim3A_208 : vector<128x1xf32> to vector<128x2xf32>
    %div3A_209 = arith.divf %exp3A, %div3A : vector<128x2xf32>
    %swap3A = arith.constant 0 : index
    %swap3A_210 = arith.constant 0 : index
    %swap3A_211 = arith.constant 0 : index
    %swap3A_212 = vector.load %arg17[%swap3A, %swap3A_210, %swap3A_211] : memref<1x128x2xf32, #tpu.memory_space<vmem>>, vector<1x128x2xf32>
    %swap3A_213 = vector.shape_cast %swap3A_212 : vector<1x128x2xf32> to vector<128x2xf32>
    %swap3A_214 = vector.shape_cast %div3A_209 : vector<128x2xf32> to vector<1x128x2xf32>
    tpu.vector_store %arg17[%swap3A, %swap3A_210, %swap3A_211], %swap3A_214 {strides = array<i32>} : memref<1x128x2xf32, #tpu.memory_space<vmem>>, vector<1x128x2xf32>,
    return
  }
  func.func @transform_0(%arg0: i32) -> (i32, i32, i32) {
    %c0_i32 = arith.constant 0 : i32
    %c0_i32_0 = arith.constant 0 : i32
    %c0_i32_1 = arith.constant 0 : i32
    return %arg0, %c0_i32, %c0_i32_0 : i32, i32, i32
  }
  func.func @transform_1(%arg0: i32) -> (i32, i32, i32) {
    %c0_i32 = arith.constant 0 : i32
    %c0_i32_0 = arith.constant 0 : i32
    %c0_i32_1 = arith.constant 0 : i32
    return %arg0, %c0_i32, %c0_i32_0 : i32, i32, i32
  }
  func.func @transform_2(%arg0: i32) -> (i32, i32) {
    %c0_i32 = arith.constant 0 : i32
    %c0_i32_0 = arith.constant 0 : i32
    %c0_i32_1 = arith.constant 0 : i32
    return %c0_i32, %c0_i32_0 : i32, i32
  }
  func.func @transform_3(%arg0: i32) -> (i32, i32) {
    %c0_i32 = arith.constant 0 : i32
    %c0_i32_0 = arith.constant 0 : i32
    %c0_i32_1 = arith.constant 0 : i32
    return %c0_i32, %c0_i32_0 : i32, i32
  }
  func.func @transform_4(%arg0: i32) -> (i32, i32) {
    %c0_i32 = arith.constant 0 : i32
    %c0_i32_0 = arith.constant 0 : i32
    %c0_i32_1 = arith.constant 0 : i32
    return %c0_i32, %c0_i32_0 : i32, i32
  }
  func.func @transform_5(%arg0: i32) -> (i32, i32) {
    %c0_i32 = arith.constant 0 : i32
    %c0_i32_0 = arith.constant 0 : i32
    %c0_i32_1 = arith.constant 0 : i32
    return %c0_i32, %c0_i32_0 : i32, i32
  }
  func.func @transform_6(%arg0: i32) -> (i32, i32) {
    %c0_i32 = arith.constant 0 : i32
    %c0_i32_0 = arith.constant 0 : i32
    %c0_i32_1 = arith.constant 0 : i32
    return %c0_i32, %c0_i32_0 : i32, i32
  }
  func.func @transform_7(%arg0: i32) -> (i32, i32) {
    %c0_i32 = arith.constant 0 : i32
    %c0_i32_0 = arith.constant 0 : i32
    %c0_i32_1 = arith.constant 0 : i32
    return %c0_i32, %c0_i32_0 : i32, i32
  }
  func.func @transform_8(%arg0: i32) -> (i32, i32) {
    %c0_i32 = arith.constant 0 : i32
    %c0_i32_0 = arith.constant 0 : i32
    %c0_i32_1 = arith.constant 0 : i32
    return %c0_i32, %c0_i32_0 : i32, i32
  }
  func.func @transform_9(%arg0: i32) -> (i32, i32) {
    %c0_i32 = arith.constant 0 : i32
    %c0_i32_0 = arith.constant 0 : i32
    %c0_i32_1 = arith.constant 0 : i32
    return %c0_i32, %c0_i32_0 : i32, i32
  }
  func.func @transform_10(%arg0: i32) -> (i32, i32) {
    %c0_i32 = arith.constant 0 : i32
    %c0_i32_0 = arith.constant 0 : i32
    %c0_i32_1 = arith.constant 0 : i32
    return %c0_i32, %c0_i32_0 : i32, i32
  }
  func.func @transform_11(%arg0: i32) -> (i32, i32) {
    %c0_i32 = arith.constant 0 : i32
    %c0_i32_0 = arith.constant 0 : i32
    %c0_i32_1 = arith.constant 0 : i32
    return %c0_i32, %c0_i32_0 : i32, i32
  }
  func.func @transform_12(%arg0: i32) -> (i32, i32) {
    %c0_i32 = arith.constant 0 : i32
    %c0_i32_0 = arith.constant 0 : i32
    %c0_i32_1 = arith.constant 0 : i32
    return %c0_i32, %c0_i32_0 : i32, i32
  }
  func.func @transform_13(%arg0: i32) -> (i32, i32) {
    %c0_i32 = arith.constant 0 : i32
    %c0_i32_0 = arith.constant 0 : i32
    %c0_i32_1 = arith.constant 0 : i32
    return %c0_i32, %c0_i32_0 : i32, i32
  }
  func.func @transform_14(%arg0: i32) -> (i32, i32) {
    %c0_i32 = arith.constant 0 : i32
    %c0_i32_0 = arith.constant 0 : i32
    %c0_i32_1 = arith.constant 0 : i32
    return %c0_i32, %c0_i32_0 : i32, i32
  }
  func.func @transform_15(%arg0: i32) -> (i32, i32) {
    %c0_i32 = arith.constant 0 : i32
    %c0_i32_0 = arith.constant 0 : i32
    %c0_i32_1 = arith.constant 0 : i32
    return %c0_i32, %c0_i32_0 : i32, i32
  }
  func.func @transform_16(%arg0: i32) -> (i32, i32, i32) {
    %c0_i32 = arith.constant 0 : i32
    %c0_i32_0 = arith.constant 0 : i32
    %c0_i32_1 = arith.constant 0 : i32
    return %arg0, %c0_i32, %c0_i32_0 : i32, i32, i32
  }
}

</mosaic_0001>

<sc_bundles>
// kernel: kernel.4.cloned.1.call-start
scs
__scs_entry_jumppad:
0x0: {  	(pc) =	sbr.rel $0x88, $3  }
0x1: {  	(tag) =	ssettag $0x0;
	lr =	simm.s32 $0x1  }
0x2: {  	[smem:$0x3F92] =	sst lr;
	_ =	strace $0xD0000000  }
0x3: {  	_ = 	snop  }
0x4: {  	_ = 	snop  }
0x5: {  	_ = 	snop  }
0x6: {  	_ = 	snop  }
0x7: {  	_ = 	snop  }
__scs_overlays_trampoline_lowered:
0x8: {  	[smem:$0x3FA1] =	sst s0  }
0x9: {  	[smem:$0x3FA2] =	sst s1  }
0xa: {  	[smem:$0x3FA3] =	sst s2  }
0xb: {  	[smem:$0x3FA4] =	sst s3  }
0xc: {  	[smem:$0x3FA5] =	sst s4  }
0xd: {  	[smem:$0x3FA6] =	sst s5  }
0xe: {  	[smem:$0x3FA7] =	sst s6  }
0xf: {  	[smem:$0x3FA8] =	sst s7  }
0x10: {  	[smem:$0x3FA9] =	sst s8  }
0x11: {  	[smem:$0x3FAA] =	sst s9;
	s0 =	simm.s32 @!p0 $0x0  }
0x12: {  	s1 =	sld [smem:$0x3F90];
	s0 =	simm.s32 @p0 $0x1  }
0x13: {  	[smem:$0x3FAB] =	sst s0;
	s0 =	simm.s32 @!p1 $0x0  }
0x14: {  	s2 =	sld [smem:$0x3F8F];
	s0 =	simm.s32 @p1 $0x1  }
0x15: {  	[smem:$0x3FAC] =	sst s0;
	s0 =	simm.s32 @!p2 $0x0  }
0x16: {  	s3 =	sld [smem:$0x3FDB];
	s0 =	simm.s32 @p2 $0x1  }
0x17: {  	s4 =	simm.s32 $0x1BF5;
	[smem:$0x3FAE] =	sst s0  }
0x18: {  	s0 =	sld [smem:$0x3F91];
	_ =	swait.ge [sflag:s4], $0x0  }
0x19: {  	s7 =	sld [smem:$0x3F92]  }
0x1a: {  	s8 =	sadd.s32 $0xFFFFE003, lr  }
0x1b: {  	s9 =	sadd.s32 $0xFFFFFEF7, lr;
	s5 =	simm.s32 $0xFFFFFFFF;
	p2 =	slt.u32 s8, $0xFFFFF086  }
0x1c: {  	p1 =	slt.u32 s9, $0xF7A;
	s5 =	simm.s32 @!p2 $0x0  }
0x1d: {  	s5 =	simm.s32 @p1 $0x1;
	p0 =	seq.s32 s7, s2  }
0x1e: {  	s7 =	smul.u32 @!p0 $0xF7A, s2;
	p2 =	seq.s32 @!p0 s5, $0x0  }
0x1f: {  	s9 =	smul.u32 $0xF7A, s1;
	s8 =	simm.s32 @!p0 $0x1BF5;
	p2 =	por !p2, p0  }
0x20: {  	[sflag:s8] =	ssyncset.s32 @!p0 $0xFFFFF086;
	s6 =	sadd.s32 @!p0 s3, s7;
	s7 =	simm.s32 @!p0 $0x108  }
0x21: {  	s3 =	sadd.s32 s3, s9;
	s6 =	sadd.s32 @!p0 $0x88, s6;
	s7 =	simm.s32 @p2 $0x1082  }
0x22: {  	[simem:s7], [sflag:s8] =	dma.local @!p0 [hbm:s6], $0xF7A  }
0x23: {  	s9 =	sor.u32 $0xD0000000, s2;
	s6 =	simm.s32 $0x108;
	_ =	swait.ge @!p0 [sflag:s8], $0x0  }
0x24: {  	s3 =	sadd.s32 $0x88, s3;
	s6 =	simm.s32 @!p1 $0x1082;
	[sflag:s4] =	ssyncset.s32 $0xFFFFF086  }
0x25: {  	[simem:s6], [sflag:s4] =	dma.local [hbm:s3], $0xF7A  }
0x26: {  	[smem:$0x3F92] =	sst s1;
	(tag) =	ssettag s2;
	_ =	strace s9  }
0x27: {  	s1 =	sld [smem:$0x3FA2]  }
0x28: {  	s2 =	sld [smem:$0x3FA3]  }
0x29: {  	s4 =	sld [smem:$0x3FA5]  }
0x2a: {  	p0 =	seq.s32 s5, $0x0;
	s5 =	sld [smem:$0x3FA6]  }
0x2b: {  	s6 =	sld [smem:$0x3FA7]  }
0x2c: {  	s7 =	sld [smem:$0x3FA8]  }
0x2d: {  	s3 =	simm.s32 $0x108;
	s8 =	sld [smem:$0x3FA9]  }
0x2e: {  	s3 =	simm.s32 @!p0 $0x1082;
	s9 =	sld [smem:$0x3FAA]  }
0x2f: {  	lr =	sadd.s32 s0, s3;
	s0 =	sld [smem:$0x3FA1]  }
0x30: {  	s3 =	sld [smem:$0x3FA4]  }
0x31: {  	[smem:$0x3FAD] =	sst s10  }
0x32: {  	s10 =	sld [smem:$0x3FAB];
	_ =	sdelay $0x3  }
0x33: {  	p0 =	seq.s32 s10, $0x1;
	s10 =	sld [smem:$0x3FAD];
	_ =	sdelay $0x3  }
0x34: {  	[smem:$0x3FAD] =	sst s10  }
0x35: {  	s10 =	sld [smem:$0x3FAC];
	_ =	sdelay $0x3  }
0x36: {  	p1 =	seq.s32 s10, $0x1;
	s10 =	sld [smem:$0x3FAD];
	_ =	sdelay $0x3  }
0x37: {  	[smem:$0x3FAD] =	sst s10  }
0x38: {  	s10 =	sld [smem:$0x3FAE]  }
0x39: {  	_ = 	snop;
	(pc) =	sbr.ind lr, $3  }
0x3a: {  	_ = 	snop  }
0x3b: {  	_ = 	snop  }
0x3c: {  	p2 =	seq.s32 s10, $0x1;
	s10 =	sld [smem:$0x3FAD]  }
0x3d: {  	_ =	shalt  }
0x3e: {  	_ =	shalt  }
0x3f: {  	_ =	shalt  }
0x40: {  	_ =	shalt  }
0x41: {  	_ =	shalt  }
0x42: {  	_ =	shalt  }
0x43: {  	_ =	shalt  }
0x44: {  	_ =	shalt  }
0x45: {  	_ =	shalt  }
0x46: {  	_ =	shalt  }
0x47: {  	_ =	shalt  }
0x48: {  	_ =	shalt  }
0x49: {  	_ =	shalt  }
0x4a: {  	_ =	shalt  }
0x4b: {  	_ =	shalt  }
0x4c: {  	_ =	shalt  }
0x4d: {  	_ =	shalt  }
0x4e: {  	_ =	shalt  }
0x4f: {  	_ =	shalt  }
0x50: {  	_ =	shalt  }
0x51: {  	_ =	shalt  }
0x52: {  	_ =	shalt  }
0x53: {  	_ =	shalt  }
0x54: {  	_ =	shalt  }
0x55: {  	_ =	shalt  }
0x56: {  	_ =	shalt  }
0x57: {  	_ =	shalt  }
0x58: {  	_ =	shalt  }
0x59: {  	_ =	shalt  }
0x5a: {  	_ =	shalt  }
0x5b: {  	_ =	shalt  }
0x5c: {  	_ =	shalt  }
0x5d: {  	_ =	shalt  }
0x5e: {  	_ =	shalt  }
0x5f: {  	_ =	shalt  }
0x60: {  	_ =	shalt  }
0x61: {  	_ =	shalt  }
0x62: {  	_ =	shalt  }
0x63: {  	_ =	shalt  }
0x64: {  	_ =	shalt  }
0x65: {  	_ =	shalt  }
0x66: {  	_ =	shalt  }
0x67: {  	_ =	shalt  }
0x68: {  	_ =	shalt  }
0x69: {  	_ =	shalt  }
0x6a: {  	_ =	shalt  }
0x6b: {  	_ =	shalt  }
0x6c: {  	_ =	shalt  }
0x6d: {  	_ =	shalt  }
0x6e: {  	_ =	shalt  }
0x6f: {  	_ =	shalt  }
0x70: {  	_ =	shalt  }
0x71: {  	_ =	shalt  }
0x72: {  	_ =	shalt  }
0x73: {  	_ =	shalt  }
0x74: {  	_ =	shalt  }
0x75: {  	_ =	shalt  }
0x76: {  	_ =	shalt  }
0x77: {  	_ =	shalt  }
0x78: {  	_ =	shalt  }
0x79: {  	_ =	shalt  }
0x7a: {  	_ =	shalt  }
0x7b: {  	_ =	shalt  }
0x7c: {  	_ =	shalt  }
0x7d: {  	_ =	shalt  }
0x7e: {  	_ =	shalt  }
0x7f: {  	_ =	shalt  }
0x80: {  	_ =	shalt  }
0x81: {  	_ =	shalt  }
0x82: {  	_ =	shalt  }
0x83: {  	_ =	shalt  }
0x84: {  	_ =	shalt  }
0x85: {  	_ =	shalt  }
0x86: {  	_ =	shalt  }
0x87: {  	_ =	shalt  }
.Lfunc_end0:
.L_simem_size_0:
called_computation_lowered:
.L_overlay_start_0:
0x88: {  	s2 =	sld [smem:$0x3FD9]  }
0x89: {  	s3 =	sld [smem:$0x3FFE];
	_ =	sdelay $0x1  }
0x8a: {  	s1 =	srdreg.scid  }
0x8b: {  	s0 =	sand.u32 $0x1, s1  }
0x8c: {  	s17 =	sshll.u32 s0, $0xA;
	s2 =	sadd.s32 s3, s2  }
0x8d: {  	s2 =	sadd.s32 s2, s17  }
0x8e: {  	[smem:$0x3FB9] =	sst s2  }
0x8f: {  	_ = 	snop  }
0x90: {  	s2 =	sld [smem:$0x3FD0];
	(tm) =	ssettm $0x1  }
0x91: {  	s18 =	sld [smem:$0x3FFB];
	_ =	sdelay $0x3  }
0x92: {  	_ =	strace s18  }
0x93: {  	s3 =	sld [smem:$0x3FFC];
	_ =	sdelay $0x3  }
0x94: {  	_ =	strace s3  }
0x95: {  	s3 =	sld [smem:$0x3FFD];
	_ =	sdelay $0x3  }
0x96: {  	_ =	strace s3  }
0x97: {  	_ =	strace $0x8FFFFFFF  }
0x98: {  	s19 =	sld [smem:$0x3FDB];
	_ =	sdelay $0x1  }
0x99: {  	s4 =	simm.s32 $_scs_section_size  }
0x9a: {  	s5 =	simm.s32 $_size__tile_overlayer_lowered;
	s6 =	simm.s32 $_tile_overlayer_lowered  }
0x9b: {  	s22 =	simm.s32 $0x1BFF;
	s21 =	sshll.u32 s6, $0x1;
	s3 =	sadd.s32 s4, s19  }
0x9c: {  	s7 =	simm.s32 $0x0;
	s20 =	sshll.u32 s5, $0x1;
	s5 =	sadd.s32 s21, s3  }
0x9d: {  	[timem:s7], [sflag:s22] =	dma.local [hbm:s5], s20  }
0x9e: {  	_ =	swait.ge [sflag:s22], s20  }
0x9f: {  	s4 =	ssub.s32 $0x0, s20;
	[sflag:s22] =	ssyncset.done $0x0  }
0xa0: {  	[sflag:s22] =	ssyncadd.s32 s4;
	_ =	sdelay $0x1  }
0xa1: {  	s23 =	simm.s32 $0x1B8B  }
0xa2: {  	_ =	swait.ge [sflag:s23], $0x1  }
0xa3: {  	[sflag:s23] =	ssyncset.done $0x0  }
0xa4: {  	s25 =	simm.s32 $0x1B8E;
	s24 =	sld [smem:$0x3FFE];
	[sflag:s23] =	ssyncadd.s32 $0xFFFFFFFF  }
0xa5: {  	s26 =	simm.s32 $execute0_lowered;
	[smem:$0x3FD2] =	sst s25  }
0xa6: {  	s5 =	sshll.u32 s26, $0x1;
	_ =	strace $0x80000046;
	[dreg:$0x1] =	wrdreg $0xFFFFFFFF  }
0xa7: {  	s28 =	simm.s32 $_size_execute0_lowered;
	s3 =	sadd.s32 s3, s5;
	[dreg:$0x0] =	wrdreg $0x0  }
0xa8: {  	s5 =	sshll.u32 s28, $0x1;
	[dreg:$0x2] =	wrdreg s3  }
0xa9: {  	[dreg:$0x3] =	wrdreg s5  }
0xaa: {  	[dreg:$0x4] =	wrdreg $0xC0  }
0xab: {  	_ =	task [dreg:s7], $0x5FFFF  }
0xac: {  	[dreg:$0x1] =	wrdreg $0xFFFFFFFF  }
0xad: {  	[dreg:$0x0] =	wrdreg $0x60  }
0xae: {  	[dreg:$0x2] =	wrdreg s24  }
0xaf: {  	[dreg:$0x3] =	wrdreg s2  }
0xb0: {  	[dreg:$0x4] =	wrdreg $0x9  }
0xb1: {  	_ =	task.clear_ibuf [dreg:s7], $0x5FFFF;
	_ =	strace $0x90000046  }
0xb2: {  	s29 =	simm.s32 $0x9;
	_ =	strace $0x80000048  }
0xb3: {  	_ =	swait.ge [sflag:s29], $0x1  }
0xb4: {  	[sflag:s29] =	ssyncadd.s32 $0xFFFFFFFF  }
0xb5: {  	_ =	strace $0x90000048  }
0xb6: {  	_ =	sfence  }
0xb7: {  	s30 =	sld [smem:$0x0];
	_ =	sdelay $0x2  }
0xb8: {  	s31 =	sshll.u32 s1, $0xD;
	s1 =	sshrl.u32 s1, $0x2  }
0xb9: {  	s3 =	sand.u32 $0x4000, s31;
	s1 =	sadd.s32 s1, s30  }
0xba: {  	s0 =	sor.u32 s3, s0;
	s1 =	sshll.u32 s1, $0x11  }
0xbb: {  	s0 =	sor.u32 s1, s0  }
0xbc: {  	s0 =	sadd.s32 $0x8F2B, s0  }
0xbd: {  	[sflag:s0] =	ssyncadd.remote.s32 $0x1  }
0xbe: {  	_ =	sfence.sel $0xFFFF  }
0xbf: {  	[dreg:$0x0] =	wrdreg $0xFFFFFFFF;
	(pc) =	sbr.abs _section_cstart, $3  }
0xc0: {  	[dreg:$0x1] =	wrdreg $0xFFFFFFFF  }
0xc1: {  	_ =	task.clear_ibuf [dreg:s7], $0x2FFFF;
	_ =	strace $0x9FFFFFFF  }
0xc2: {  	(tm) =	ssettm $0x7FFFFFFF  }
0xc3: {  	_ =	shalt  }
tec
execute0_lowered:
.L_overlay_start_1:
0x0: {  	(tag) =	ssettag $0x1  }
0x1: {  	s0 =	srdreg.scid;
	s1 =	rddreg [dreg:$0x0]  }
0x2: {  	s11 =	stileid.u32;
	s2 =	rddreg [dreg:$0x1]  }
0x3: {  	s0 =	sand.u32 $0x1, s0;
	s3 =	sshll.u32 s11, $0x1;
	s17 =	smul.u32 $0xA0000, s11  }
0x4: {  	s5 =	sor.u32 s0, s3;
	s9 =	ssub.s32 $0x2, s0;
	s0 =	smul.u32 $0x50000, s0  }
0x5: {  	s29 =	simm.s32 $0x7900;
	s30 =	simm.s32 $0x1;
	s4 =	smul.u32 $0xA0, s5  }
0x6: {  	s31 =	simm.s32 $0x5;
	s3 =	simm.s32 $0x0;
	s6 =	smul.u32 $0x280, s5  }
0x7: {  	s28 =	simm.s32 $0x7;
	[smem:$0x7FF] =	sst s3;
	s7 =	smul.u32 $0x28000, s5  }
0x8: {  	s10 =	sshrl.u32 s9, $0x1;
	s5 =	smul.u32 $0x50000, s5;
	_ =	strace $0x80000047  }
0x9: {  	s9 =	ssub.s32 s9, s10;
	s0 =	sadd.s32 s0, s17;
	s8 =	sadd.s32 s4, s1  }
0xa: {  	s6 =	sadd.s32 s6, s1;
	s4 =	sadd.s32 $0x9E00, s1;
	s15 =	smax.u32 s9, $0x1  }
0xb: {  	s7 =	sshrl.u32 s7, $0x4;
	s8 =	sadd.s32 $0x8A00, s8;
	[dreg:$0x5] =	wrdreg s15  }
0xc: {  	s7 =	sadd.s32 s7, s1;
	s6 =	sadd.s32 $0x3A00, s6;
	[dreg:$0x3] =	wrdreg s8  }
0xd: {  	s5 =	sshrl.u32 s5, $0x4;
	[dreg:$0x4] =	wrdreg s6;
	s16 =	sadd.s32 $0xAA600, s7  }
0xe: {  	s0 =	sor.u32 $0x2000, s0;
	s18 =	sadd.s32 $0xAAA00, s7;
	[dreg:$0x6] =	wrdreg s16  }
0xf: {  	s9 =	simm.s32 $0x0;
	s19 =	sadd.s32 $0xAAE00, s7;
	[dreg:$0x7] =	wrdreg s18  }
0x10: {  	s1 =	sadd.s32 $0xA600, s1;
	s20 =	sadd.s32 $0xAB200, s7;
	[dreg:$0x8] =	wrdreg s19  }
0x11: {  	s0 =	sshrl.u32 s0, $0x4;
	s21 =	sadd.s32 $0xAB600, s7;
	[dreg:$0x9] =	wrdreg s20  }
0x12: {  	s22 =	sadd.s32 $0xABA00, s7;
	s23 =	sadd.s32 $0xABE00, s7;
	[dreg:$0xa] =	wrdreg s21  }
0x13: {  	s24 =	sadd.s32 $0xAC200, s7;
	s25 =	sadd.s32 $0xAC600, s7;
	[dreg:$0xb] =	wrdreg s22  }
0x14: {  	s26 =	sadd.s32 $0xACA00, s7;
	s5 =	sadd.s32 s1, s5;
	[dreg:$0xc] =	wrdreg s23  }
0x15: {  	s13 =	sadd.s32 s0, s1;
	s0 =	simm.s32 $0x2;
	[dreg:$0xd] =	wrdreg s24  }
0x16: {  	s1 =	simm.s32 $0x3;
	s6 =	simm.s32 $0x9900;
	[dreg:$0xe] =	wrdreg s25  }
0x17: {  	s7 =	simm.s32 $0x9;
	s8 =	simm.s32 $0x10;
	[dreg:$0xf] =	wrdreg s26  }
0x18: {  	[dreg:$0x10] =	wrdreg s5;
	s20 =	simm.s32 $0x11;
	s21 =	simm.s32 $0x500  }
0x19: {  	s22 =	simm.s32 $0x80;
	s23 =	simm.s32 $0x1900;
	s24 =	simm.s32 $0x3900  }
0x1a: {  	s26 =	simm.s32 $0x5900;
	s25 =	simm.s32 $0x6;
	s5 =	simm.s32 $0x8  }
.LBB2_1:
0x1b: {  	s10 =	rddreg [dreg:$0x3]  }
0x1c: {  	[tilespmem:s3], [sflag:$0x11] =	stream.linear.gather [hbm4b:s10+s3], $0x500, $0x38;
	[tilespmem:$0xD900] =	vst v63  }
0x1d: {  	_ =	swait.ge [sflag:s20], $0x500  }
0x1e: {  	[sflag:s20] =	ssyncset.done $0x0  }
0x1f: {  	s16 =	rddreg [dreg:$0x4];
	[sflag:s20] =	ssyncadd.s32 $0xFFFFFB00  }
0x20: {  	[tilespmem:s21], [sflag:$0x11] =	stream.linear.gather [hbm4b:s16+s3], $0x1400, $0x38;
	[tilespmem:$0xD900] =	vst v63  }
0x21: {  	_ =	swait.ge [sflag:s20], $0x1400  }
0x22: {  	[sflag:s20] =	ssyncset.done $0x0  }
0x23: {  	[sflag:s20] =	ssyncadd.s32 $0xFFFFEC00  }
0x24: {  	[tilespmem:s23], [sflag:$0x1] =	stream.indirect.gather [hbm4b:s2+s22], $0x40, s3, s22, $0xb8;
	[tilespmem:$0xD900] =	vst v63  }
0x25: {  	_ = 	snop  }
0x26: {  	[tilespmem:s24], [sflag:$0x2] =	stream.indirect.gather [hbm4b:s2+s22], $0x40, s22, s22, $0xb8;
	[tilespmem:$0xD900] =	vst v63  }
0x27: {  	s17 =	simm.s32 $0x100  }
0x28: {  	[tilespmem:s26], [sflag:$0x3] =	stream.indirect.gather [hbm4b:s2+s22], $0x40, s17, s22, $0xb8;
	[tilespmem:$0xD900] =	vst v63  }
0x29: {  	s18 =	simm.s32 $0x180  }
0x2a: {  	[tilespmem:s29], [sflag:$0x4] =	stream.indirect.gather [hbm4b:s2+s22], $0x40, s18, s22, $0xb8;
	[tilespmem:$0xD900] =	vst v63  }
0x2b: {  	_ =	swait.ge [sflag:s30], $0x2000  }
0x2c: {  	[sflag:s30] =	ssyncset.done $0x0  }
0x2d: {  	s19 =	rddreg [dreg:$0x6];
	[sflag:s30] =	ssyncadd.s32 $0xFFFFE000  }
0x2e: {  	[hbm4b:s19+s3] =	stream.linear.scatter [tilespmem:s23], [sflag:$0x5], $0x2000, $0x38;
	[tilespmem:$0xD900] =	vst v63  }
0x2f: {  	_ =	swait.ge [sflag:s31], $0x2000  }
0x30: {  	[sflag:s31] =	ssyncset.done $0x0  }
0x31: {  	s11 =	simm.s32 $0x200;
	[sflag:s31] =	ssyncadd.s32 $0xFFFFE000  }
0x32: {  	[tilespmem:s23], [sflag:$0x1] =	stream.indirect.gather [hbm4b:s2+s22], $0x40, s11, s22, $0xb8;
	[tilespmem:$0xD900] =	vst v63  }
0x33: {  	_ =	swait.ge [sflag:s0], $0x2000  }
0x34: {  	[sflag:s0] =	ssyncset.done $0x0  }
0x35: {  	s12 =	rddreg [dreg:$0x7];
	[sflag:s0] =	ssyncadd.s32 $0xFFFFE000  }
0x36: {  	[hbm4b:s12+s3] =	stream.linear.scatter [tilespmem:s24], [sflag:$0x6], $0x2000, $0x38;
	[tilespmem:$0xD900] =	vst v63  }
0x37: {  	_ =	swait.ge [sflag:s25], $0x2000  }
0x38: {  	[sflag:s25] =	ssyncset.done $0x0  }
0x39: {  	s14 =	simm.s32 $0x280;
	[sflag:s25] =	ssyncadd.s32 $0xFFFFE000  }
0x3a: {  	[tilespmem:s24], [sflag:$0x2] =	stream.indirect.gather [hbm4b:s2+s22], $0x40, s14, s22, $0xb8;
	[tilespmem:$0xD900] =	vst v63  }
0x3b: {  	_ =	swait.ge [sflag:s1], $0x2000  }
0x3c: {  	[sflag:s1] =	ssyncset.done $0x0  }
0x3d: {  	s15 =	rddreg [dreg:$0x8];
	[sflag:s1] =	ssyncadd.s32 $0xFFFFE000  }
0x3e: {  	[hbm4b:s15+s3] =	stream.linear.scatter [tilespmem:s26], [sflag:$0x7], $0x2000, $0x38;
	[tilespmem:$0xD900] =	vst v63  }
0x3f: {  	_ =	swait.ge [sflag:s28], $0x2000  }
0x40: {  	[sflag:s28] =	ssyncset.done $0x0  }
0x41: {  	s10 =	simm.s32 $0x4;
	s16 =	simm.s32 $0x300;
	[sflag:s28] =	ssyncadd.s32 $0xFFFFE000  }
0x42: {  	[tilespmem:s26], [sflag:$0x3] =	stream.indirect.gather [hbm4b:s2+s22], $0x40, s16, s22, $0xb8;
	[tilespmem:$0xD900] =	vst v63  }
0x43: {  	_ =	swait.ge [sflag:s10], $0x2000  }
0x44: {  	[sflag:s10] =	ssyncset.done $0x0  }
0x45: {  	s11 =	rddreg [dreg:$0x9];
	[sflag:s10] =	ssyncadd.s32 $0xFFFFE000  }
0x46: {  	[hbm4b:s11+s3] =	stream.linear.scatter [tilespmem:s29], [sflag:$0x8], $0x2000, $0x38;
	[tilespmem:$0xD900] =	vst v63  }
0x47: {  	_ =	swait.ge [sflag:s5], $0x2000  }
0x48: {  	[sflag:s5] =	ssyncset.done $0x0  }
0x49: {  	s17 =	simm.s32 $0x380;
	[sflag:s5] =	ssyncadd.s32 $0xFFFFE000  }
0x4a: {  	[tilespmem:s29], [sflag:$0x4] =	stream.indirect.gather [hbm4b:s2+s22], $0x40, s17, s22, $0xb8;
	[tilespmem:$0xD900] =	vst v63  }
0x4b: {  	_ =	swait.ge [sflag:s30], $0x2000  }
0x4c: {  	[sflag:s30] =	ssyncset.done $0x0  }
0x4d: {  	s18 =	rddreg [dreg:$0xa];
	[sflag:s30] =	ssyncadd.s32 $0xFFFFE000  }
0x4e: {  	[hbm4b:s18+s3] =	stream.linear.scatter [tilespmem:s23], [sflag:$0x5], $0x2000, $0x38;
	[tilespmem:$0xD900] =	vst v63  }
0x4f: {  	_ =	swait.ge [sflag:s31], $0x2000  }
0x50: {  	[sflag:s31] =	ssyncset.done $0x0  }
0x51: {  	s19 =	simm.s32 $0x400;
	[sflag:s31] =	ssyncadd.s32 $0xFFFFE000  }
0x52: {  	[tilespmem:s23], [sflag:$0x1] =	stream.indirect.gather [hbm4b:s2+s22], $0x40, s19, s22, $0xb8;
	[tilespmem:$0xD900] =	vst v63  }
0x53: {  	_ =	swait.ge [sflag:s0], $0x2000  }
0x54: {  	[sflag:s0] =	ssyncset.done $0x0  }
0x55: {  	s12 =	rddreg [dreg:$0xb];
	[sflag:s0] =	ssyncadd.s32 $0xFFFFE000  }
0x56: {  	[hbm4b:s12+s3] =	stream.linear.scatter [tilespmem:s24], [sflag:$0x6], $0x2000, $0x38;
	[tilespmem:$0xD900] =	vst v63  }
0x57: {  	_ =	swait.ge [sflag:s25], $0x2000  }
0x58: {  	[sflag:s25] =	ssyncset.done $0x0  }
0x59: {  	s14 =	simm.s32 $0x480;
	[sflag:s25] =	ssyncadd.s32 $0xFFFFE000  }
0x5a: {  	[tilespmem:s24], [sflag:$0x2] =	stream.indirect.gather [hbm4b:s2+s22], $0x40, s14, s22, $0xb8;
	[tilespmem:$0xD900] =	vst v63  }
0x5b: {  	_ =	swait.ge [sflag:s1], $0x2000  }
0x5c: {  	[sflag:s1] =	ssyncset.done $0x0  }
0x5d: {  	s15 =	rddreg [dreg:$0xc];
	[sflag:s1] =	ssyncadd.s32 $0xFFFFE000  }
0x5e: {  	[hbm4b:s15+s3] =	stream.linear.scatter [tilespmem:s26], [sflag:$0x7], $0x2000, $0x38;
	[tilespmem:$0xD900] =	vst v63  }
0x5f: {  	_ =	swait.ge [sflag:s28], $0x2000  }
0x60: {  	[sflag:s28] =	ssyncset.done $0x0  }
0x61: {  	[sflag:s28] =	ssyncadd.s32 $0xFFFFE000  }
0x62: {  	_ =	swait.ge [sflag:s10], $0x2000  }
0x63: {  	[sflag:s10] =	ssyncset.done $0x0  }
0x64: {  	s16 =	rddreg [dreg:$0xd];
	[sflag:s10] =	ssyncadd.s32 $0xFFFFE000  }
0x65: {  	[hbm4b:s16+s3] =	stream.linear.scatter [tilespmem:s29], [sflag:$0x8], $0x2000, $0x38;
	[tilespmem:$0xD900] =	vst v63  }
0x66: {  	_ =	swait.ge [sflag:s5], $0x2000  }
0x67: {  	[sflag:s5] =	ssyncset.done $0x0  }
0x68: {  	[sflag:s5] =	ssyncadd.s32 $0xFFFFE000  }
0x69: {  	_ =	swait.ge [sflag:s30], $0x2000  }
0x6a: {  	[sflag:s30] =	ssyncset.done $0x0  }
0x6b: {  	s17 =	rddreg [dreg:$0xe];
	[sflag:s30] =	ssyncadd.s32 $0xFFFFE000  }
0x6c: {  	[hbm4b:s17+s3] =	stream.linear.scatter [tilespmem:s23], [sflag:$0x5], $0x2000, $0x38;
	[tilespmem:$0xD900] =	vst v63  }
0x6d: {  	_ =	swait.ge [sflag:s31], $0x2000  }
0x6e: {  	[sflag:s31] =	ssyncset.done $0x0  }
0x6f: {  	[sflag:s31] =	ssyncadd.s32 $0xFFFFE000  }
0x70: {  	_ =	swait.ge [sflag:s0], $0x2000  }
0x71: {  	[sflag:s0] =	ssyncset.done $0x0  }
0x72: {  	s18 =	rddreg [dreg:$0xf];
	[sflag:s0] =	ssyncadd.s32 $0xFFFFE000  }
0x73: {  	[hbm4b:s18+s3] =	stream.linear.scatter [tilespmem:s24], [sflag:$0x6], $0x2000, $0x38;
	[tilespmem:$0xD900] =	vst v63  }
0x74: {  	_ =	swait.ge [sflag:s25], $0x2000  }
0x75: {  	[sflag:s25] =	ssyncset.done $0x0  }
0x76: {  	[sflag:s25] =	ssyncadd.s32 $0xFFFFE000  }
0x77: {  	[tilespmem:s6], [sflag:$0x9] =	stream.indirect.gather [hbm4b:s4+s22], $0x20, s21, s22, $0xb8;
	[tilespmem:$0xD900] =	vst v63  }
0x78: {  	s19 =	simm.s32 $0x580;
	s12 =	simm.s32 $0xA900  }
0x79: {  	[tilespmem:s12], [sflag:$0xA] =	stream.indirect.gather [hbm4b:s4+s22], $0x20, s19, s22, $0xb8;
	[tilespmem:$0xD900] =	vst v63  }
0x7a: {  	s14 =	simm.s32 $0xB900;
	s12 =	simm.s32 $0x600  }
0x7b: {  	[tilespmem:s14], [sflag:$0xB] =	stream.indirect.gather [hbm4b:s4+s22], $0x20, s12, s22, $0xb8;
	[tilespmem:$0xD900] =	vst v63  }
0x7c: {  	s15 =	simm.s32 $0x680;
	s16 =	simm.s32 $0xC900  }
0x7d: {  	[tilespmem:s16], [sflag:$0xC] =	stream.indirect.gather [hbm4b:s4+s22], $0x20, s15, s22, $0xb8;
	[tilespmem:$0xD900] =	vst v63  }
0x7e: {  	p0 =	por $0x0, $0x0;
	s10 =	sand.u32 $0x3, s10;
	_ =	swait.ge [sflag:s7], $0x1000  }
0x7f: {  	s18 =	simm.s32 $0x1;
	s14 =	sadd.s32 $0xD, s10;
	[sflag:s7] =	ssyncset.done $0x0  }
0x80: {  	s12 =	sand.u32 $0x3, s18;
	s17 =	rddreg [dreg:$0x10];
	[sflag:s7] =	ssyncadd.s32 $0xFFFFF000  }
0x81: {  	[hbm4b:s17+s3] =	stream.linear.scatter [tilespmem:s6], [sflag:$0xD], $0x1000, $0x38;
	[tilespmem:$0xD900] =	vst v63  }
0x82: {  	s11 =	simm.s32 $0x700;
	s19 =	sshll.u32 s12, $0xC;
	_ =	swait.ge [sflag:s14], $0x1000  }
0x83: {  	s15 =	sshll.u32 @!p0 s10, $0xC;
	s16 =	simm.s32 @!p0 $0x80;
	[sflag:s14] =	ssyncset.done $0x0  }
0x84: {  	s10 =	sadd.s32 @!p0 $0x9, s10;
	[sflag:s14] =	ssyncadd.s32 $0xFFFFF000;
	s14 =	sadd.s32 @!p0 $0x9900, s15  }
0x85: {  	[tilespmem:s14], [sflag:s10] =	stream.indirect.gather @!p0 [hbm4b:s4+s16], $0x20, s11, s16, $0xb8;
	[tilespmem:$0xD900] =	vst v63  }
0x86: {  	s15 =	sadd.s32 $0xD, s12;
	s10 =	simm.s32 $0x5;
	s14 =	sadd.s32 $0x9, s12  }
0x87: {  	s11 =	simm.s32 $0x780;
	s16 =	sadd.s32 $0x9900, s19;
	_ =	swait.ge [sflag:s14], $0x1000  }
0x88: {  	s19 =	smov.u32 s13;
	s12 =	smov.u32 s13;
	[sflag:s14] =	ssyncset.done $0x0  }
.LBB2_2:
0x89: {  	[sflag:s14] =	ssyncadd.s32 $0xFFFFF000  }
0x8a: {  	s19 =	sadd.s32 $0x200, s19;
	s14 =	smov.u32 s10;
	s10 =	sadd.s32 $0x1, s10  }
0x8b: {  	[hbm4b:s12+s3] =	stream.linear.scatter [tilespmem:s16], [sflag:s15], $0x1000, $0x38;
	[tilespmem:$0xD900] =	vst v63  }
0x8c: {  	s15 =	sand.u32 $0x3, s14  }
0x8d: {  	p0 =	sne.s32 s10, $0x2B;
	s12 =	smov.u32 s19;
	s14 =	sadd.s32 $0xFFFFFFFD, s14  }
0x8e: {  	s16 =	sadd.s32 $0xD, s15;
	p1 =	sgt.u32 s14, $0x24  }
0x8f: {  	s17 =	sand.u32 $0x3, s14;
	s14 =	sshll.u32 @!p1 s15, $0xC;
	_ =	swait.ge [sflag:s16], $0x1000  }
0x90: {  	s18 =	simm.s32 @!p1 $0x80;
	s15 =	sadd.s32 @!p1 $0x9, s15;
	[sflag:s16] =	ssyncset.done $0x0  }
.Ltmp0:
0x91: {  	s14 =	sadd.s32 @!p1 $0x9900, s14;
	[sflag:s16] =	ssyncadd.s32 $0xFFFFF000;
	(pc) =	sbr.rel @p0 .LBB2_2-.Ltmp0, $4  }
0x92: {  	[tilespmem:s14], [sflag:s15] =	stream.indirect.gather @!p1 [hbm4b:s4+s18], $0x20, s11, s18, $0xb8;
	[tilespmem:$0xD900] =	vst v63  }
0x93: {  	s16 =	sshll.u32 s17, $0xC;
	s14 =	sadd.s32 $0x9, s17  }
0x94: {  	s11 =	sadd.s32 $0x80, s11;
	_ =	swait.ge [sflag:s14], $0x1000  }
0x95: {  	s15 =	sadd.s32 $0xD, s17;
	s16 =	sadd.s32 $0x9900, s16;
	[sflag:s14] =	ssyncset.done $0x0  }
0x96: {  	[sflag:s14] =	ssyncadd.s32 $0xFFFFF000  }
0x97: {  	[hbm4b:s12+s3] =	stream.linear.scatter [tilespmem:s16], [sflag:s15], $0x1000, $0x38;
	[tilespmem:$0xD900] =	vst v63  }
0x98: {  	_ =	swait.ge [sflag:s8], $0x1000  }
0x99: {  	s9 =	sadd.s32 $0x1, s9;
	s10 =	rddreg [dreg:$0x5]  }
0x9a: {  	p0 =	sne.s32 s9, s10  }
.Ltmp1:
0x9b: {  	_ = 	snop;
	(pc) =	sbr.rel @p0 .LBB2_1-.Ltmp1, $3  }
0x9c: {  	_ =	sdelay $0x1  }
0x9d: {  	[sflag:s8] =	ssyncset.done $0x0  }
0x9e: {  	[sflag:s8] =	ssyncadd.s32 $0xFFFFF000  }
0x9f: {  	_ =	sfence.sel $0x180000  }
0xa0: {  	[bflag:$0x0] =	sbarrier.arrive $0xFFFF  }
0xa1: {  	_ =	strace $0x90000047  }
0xa2: {  	s0 =	stileid.u32;
	[bflag:$0x2] =	sbarrier.arrive $0xFFFF  }
0xa3: {  	p0 =	sne.s32 s0, $0x0;
	s0 =	rddreg [dreg:$0x2]  }
0xa4: {  	s0 =	sadd.s32 @!p0 $0x100000, s0  }
0xa5: {  	[sflag:s0] =	ssyncadd.tile.s32 @!p0 $0x1;
	_ =	shalt  }
.Lfunc_end2:
_tile_overlayer_lowered:
.L_overlay_start_2:
0xa6: {  	(tag) =	ssettag $0x2  }
0xa7: {  	s0 =	rddreg [dreg:$0x0];
	s2 =	stileid.u32  }
0xa8: {  	s1 =	rddreg [dreg:$0x1];
	p0 =	sne.s32 s2, $0x0  }
0xa9: {  	s3 =	rddreg [dreg:$0x2];
	[bflag:$0x3] =	sbarrier.arrive $0xFFFF;
	s2 =	simm.s32 @!p0 $0x1C11  }
0xaa: {  	[timem:s3], [sflag:s2] =	dma.local @!p0 [hbm:s0], s1  }
0xab: {  	s0 =	simm.s32 @!p0 $0x11  }
0xac: {  	_ =	swait.ge @!p0 [sflag:s0], s1  }
0xad: {  	s1 =	ssub.s32 @!p0 $0x0, s1;
	[sflag:s0] =	ssyncset.done @!p0 $0x0  }
0xae: {  	[sflag:s0] =	ssyncadd.s32 @!p0 s1  }
0xaf: {  	[bflag:$0x3] =	sbarrier.arrive $0xFFFF  }
0xb0: {  	_ =	shalt  }

</sc_bundles>
